<compile_context>
chip_gen: v7x
topology: tpu7x:2x2x1
jax: 0.10.2.dev20260603
libtpu: 0.0.44.dev20260713+nightly
codegen_flags: <defaults>
</compile_context>

<pallas_src>
import numpy as np
import jax
import jax.numpy as jnp
from jax import lax
from jax.experimental import pallas as pl
from jax.experimental.pallas import tpu as pltpu
from jax.experimental.pallas import tpu_sc as plsc

N_BEH = 8192
N_OBJ = 256
N_PROP = 16
STEP_DIST = 0.05
NW = 32
BEH_PER_W = N_BEH // NW
L = 16
N_GROUPS = BEH_PER_W // L

_R2 = np.float32(np.sqrt(2.0) / 2.0)
_CT = np.array([-1, -_R2, 0, _R2, 1, _R2, 0, -_R2, -1], np.float32)
_ST = np.array([0, -_R2, -1, -_R2, 0, _R2, 1, _R2, 0], np.float32)
_TAU = np.float32(np.tan(np.float64(22.5) * np.pi / 180.0))


def _dist_bin_intervals():
    u = np.float32(0.05)
    inf = np.float32(np.inf)
    los = np.zeros(21, np.float32)
    his = np.zeros(21, np.float32)

    def ok(v, k):
        return np.float32(np.round(np.float32(v) / u)) == np.float32(k)

    for k in range(21):
        v = np.float32(max((k - 0.5) * 0.05 - 2e-6, 0.0))
        while not ok(v, k):
            v = np.nextafter(v, inf, dtype=np.float32)
        los[k] = v
        v = np.float32((k + 0.5) * 0.05 + 2e-6)
        while not ok(v, k):
            v = np.nextafter(v, -inf, dtype=np.float32)
        his[k] = v
    return los, his


_LOS, _HIS = _dist_bin_intervals()

_P_P0, _P_P1, _P_MVX, _P_MVY = 0, 1, 2, 3
_P_LOX, _P_HIX, _P_LOY, _P_HIY = 4, 5, 6, 7
_P_CT, _P_ST, _P_A2, _P_B2, _P_W = 8, 9, 10, 11, 12
_NPAR = 13


def _vtake(vec, idx):
    dnums = lax.GatherDimensionNumbers(offset_dims=(), collapsed_slice_dims=(0,),
                                       start_index_map=(0,))
    return lax.gather(vec, idx[:, None], dnums, slice_sizes=(1,),
                      mode=lax.GatherScatterMode.PROMISE_IN_BOUNDS)


def _sc_body(x_hbm, par_hbm, omt_hbm, out_hbm, x_v, par_v, om_v, out_v):
    wid = lax.axis_index("s") * 2 + lax.axis_index("c")
    base = wid * SC_PER_W
    pltpu.sync_copy(x_hbm, x_v)
    pltpu.sync_copy(par_hbm.at[:, pl.ds(base, SC_PER_W)], par_v)
    pltpu.sync_copy(omt_hbm.at[:, pl.ds(base, SC_PER_W)], om_v)

    for g in range(SC_GROUPS):
        sl = pl.ds(g * L, L)
        p0v = par_v[_P_P0, sl].astype(jnp.int32)
        p1v = par_v[_P_P1, sl].astype(jnp.int32)
        xrow0 = x_v[0, :]
        pmx = _vtake(xrow0, p0v) + par_v[_P_MVX, sl]
        pmy = _vtake(xrow0, p1v) + par_v[_P_MVY, sl]
        lox = par_v[_P_LOX, sl]
        hix = par_v[_P_HIX, sl]
        loy = par_v[_P_LOY, sl]
        hiy = par_v[_P_HIY, sl]
        ct = par_v[_P_CT, sl]
        st = par_v[_P_ST, sl]
        a2 = par_v[_P_A2, sl]
        b2 = par_v[_P_B2, sl]

        def body(j, acc):
            xrow = x_v[j, :]
            c0 = _vtake(xrow, p0v)
            c1 = _vtake(xrow, p1v)
            omv = om_v[j, sl]
            dx = c0 - pmx
            dy = c1 - pmy
            adx = jnp.abs(dx)
            ady = jnp.abs(dy)
            sx = jnp.minimum(adx - lox, hix - adx)
            sy = jnp.minimum(ady - loy, hiy - ady)
            u = dx * ct + dy * st
            v = dy * ct - dx * st
            ssec = _TAU * u - jnp.abs(v)
            ssgn = a2 + b2 * v
            slack = jnp.minimum(jnp.minimum(sx, sy),
                                jnp.minimum(jnp.minimum(ssec, ssgn), omv))
            return jnp.maximum(acc, slack)

        acc = lax.fori_loop(0, N_OBJ, body, jnp.full((L,), -1.0, jnp.float32))
        hit = jnp.minimum(jnp.sign(acc) + 1.0, 1.0)
        out_v[sl] = hit * par_v[_P_W, sl]

    pltpu.sync_copy(out_v, out_hbm.at[pl.ds(base, SC_PER_W)])


def _sc_call(x2, par, omt):
    mesh = plsc.VectorSubcoreMesh(core_axis_name="c", subcore_axis_name="s")
    return pl.kernel(
        _sc_body,
        mesh=mesh,
        out_type=jax.ShapeDtypeStruct((SC_BEH,), jnp.float32),
        scratch_types=[
            pltpu.VMEM((N_OBJ, N_PROP), jnp.float32),
            pltpu.VMEM((_NPAR, SC_PER_W), jnp.float32),
            pltpu.VMEM((N_OBJ, SC_PER_W), jnp.float32),
            pltpu.VMEM((SC_PER_W,), jnp.float32),
        ],
    )(x2, par, omt)




H_TC = 4096
BLK = 256
SC_BEH = N_BEH - H_TC
SC_PER_W = SC_BEH // NW
SC_GROUPS = SC_PER_W // L


def _tc_body(xt_ref, p0_ref, p1_ref, mvx_ref, mvy_ref, lox_ref, hix_ref,
             loy_ref, hiy_ref, ct_ref, st_ref, s4_ref, om_ref, w_ref, out_ref):
    xt = xt_ref[...]
    p0 = p0_ref[...]
    p1 = p1_ref[...]

    prop_iota = jax.lax.broadcasted_iota(jnp.int32, (BLK, N_PROP), 1)
    oh0 = (prop_iota == p0[:, None]).astype(jnp.float32)
    oh1 = (prop_iota == p1[:, None]).astype(jnp.float32)
    c0 = jnp.dot(oh0, xt, preferred_element_type=jnp.float32,
                 precision=jax.lax.Precision.HIGHEST)
    c1 = jnp.dot(oh1, xt, preferred_element_type=jnp.float32,
                 precision=jax.lax.Precision.HIGHEST)

    p1mx = c0[:, 0] + mvx_ref[...]
    p1my = c1[:, 0] + mvy_ref[...]
    dx = c0 - p1mx[:, None]
    dy = c1 - p1my[:, None]

    adx = jnp.abs(dx)
    ady = jnp.abs(dy)
    mask_x = (lox_ref[...][:, None] <= adx) & (adx <= hix_ref[...][:, None])
    mask_y = (loy_ref[...][:, None] <= ady) & (ady <= hiy_ref[...][:, None])

    ct = ct_ref[...][:, None]
    st = st_ref[...][:, None]
    s4 = s4_ref[...][:, None]
    u = dx * ct + dy * st
    v = dy * ct - dx * st
    sector = jnp.abs(v) <= _TAU * u
    sgn_ok = ((s4 == 0.0) | ((s4 > 0.0) & (v <= 0.0))
              | ((s4 < 0.0) & (v > 0.0)))
    mask = sector & sgn_ok & mask_x & mask_y & (om_ref[...] > 0.0)
    hit = jnp.sum(mask.astype(jnp.float32), axis=1) > 0.0
    out_ref[...] = hit.astype(jnp.float32) * w_ref[...]


def _tc_call(xt, p0, p1, mvx, mvy, lox, hix, loy, hiy, ct, st, s4, omf, w):
    grid = (H_TC // BLK,)
    beh_spec = pl.BlockSpec((BLK,), lambda i: (i,))
    return pl.pallas_call(
        _tc_body,
        grid=grid,
        in_specs=[
            pl.BlockSpec((N_PROP, N_OBJ), lambda i: (0, 0)),
            beh_spec, beh_spec, beh_spec, beh_spec, beh_spec, beh_spec,
            beh_spec, beh_spec, beh_spec, beh_spec, beh_spec,
            pl.BlockSpec((BLK, N_OBJ), lambda i: (i, 0)),
            beh_spec,
        ],
        out_specs=beh_spec,
        out_shape=jax.ShapeDtypeStruct((H_TC,), jnp.float32),
    )(xt, p0, p1, mvx, mvy, lox, hix, loy, hiy, ct, st, s4, omf, w)


def kernel(x, p, move_directions, dir_types, x_types, y_types, o_mask,
           beh_weights):
    xt = x[0].T
    obj_idx = jnp.arange(N_OBJ)[None, :]
    keep = o_mask & (obj_idx > 0)

    rad = move_directions * (jnp.pi / 180.0)
    mvx = STEP_DIST * jnp.cos(rad)
    mvy = STEP_DIST * jnp.sin(rad)

    kx = jnp.round(x_types * 20.0).astype(jnp.int32)
    ky = jnp.round(y_types * 20.0).astype(jnp.int32)
    t = jnp.round(dir_types / 45.0).astype(jnp.int32)
    lox = jnp.asarray(_LOS)[kx]
    hix = jnp.asarray(_HIS)[kx]
    loy = jnp.asarray(_LOS)[ky]
    hiy = jnp.asarray(_HIS)[ky]
    ctv = jnp.asarray(_CT)[t + 4]
    stv = jnp.asarray(_ST)[t + 4]
    s4 = jnp.where(t == 4, 1.0, jnp.where(t == -4, -1.0, 0.0)).astype(jnp.float32)
    a2 = jnp.where(t == 4, 0.0, jnp.where(t == -4, -1.0, 1.0)).astype(jnp.float32)
    b2 = jnp.where(t == 4, -1.0, jnp.where(t == -4, 1e20, 0.0)).astype(jnp.float32)
    p0 = p[:, 0].astype(jnp.int32)
    p1 = p[:, 1].astype(jnp.int32)

    s = slice(H_TC, N_BEH)
    omt_sc = jnp.where(keep[s], 1.0, -1.0).astype(jnp.float32).T
    par_sc = jnp.stack([
        p0[s].astype(jnp.float32), p1[s].astype(jnp.float32),
        mvx[s], mvy[s], lox[s], hix[s], loy[s], hiy[s],
        ctv[s], stv[s], a2[s], b2[s], beh_weights[s],
    ])
    out_sc = _sc_call(x[0], par_sc, omt_sc)

    h = slice(0, H_TC)
    omf_tc = jnp.where(keep[h], 1.0, 0.0).astype(jnp.float32)
    out_tc = _tc_call(xt, p0[h], p1[h], mvx[h], mvy[h], lox[h], hix[h],
                      loy[h], hiy[h], ctv[h], stv[h], s4[h], omf_tc,
                      beh_weights[h])

    return jnp.concatenate([out_tc, out_sc])

# --- scband reference (transcript-rebuilt; emitter-appended) ---
"""Pipeline reference for scband-smp-reasoner-70514773066499 (READ-ONLY COPY).

The authoritative reference and input builder live on the scoring server;
editing this copy changes nothing except your own understanding.
"""

import jax, jax.numpy as jnp
import numpy as np

N_BEH = 8192
N_OBJ = 256
N_PROP = 16
STEP_DIST = 0.05

def one_step_move_o2o(p1, directions, step_dist):
    rad = directions * (jnp.pi / 180.0)
    delta = jnp.stack([jnp.cos(rad), jnp.sin(rad)], axis=-1)
    return p1 + step_dist * delta[:, None, :]

def dist_a_and_b(a, b):
    return jnp.abs(a - b)

def closest_one_percent(v, unit):
    return jnp.round(v / unit) * unit

def dir_a_and_b_with_alignment(a, b):
    d = b - a
    ang = jnp.arctan2(d[..., 1], d[..., 0]) * (180.0 / jnp.pi)
    return jnp.round(ang / 45.0) * 45.0

def setup_inputs(seed: int = 0):
    key = jax.random.key(seed)
    ks = jax.random.split(key, 8)
    x = jax.random.uniform(ks[0], (1, N_OBJ, N_PROP), dtype=jnp.float32)
    p = jax.random.randint(ks[1], (N_BEH, 2), 0, N_PROP)
    move_directions = jnp.round(jax.random.uniform(ks[2], (N_BEH,), dtype=jnp.float32) * 7.0) * 45.0
    dir_types = jnp.round(jax.random.uniform(ks[3], (N_BEH,), dtype=jnp.float32) * 8.0) * 45.0 - 180.0
    x_types = closest_one_percent(jax.random.uniform(ks[4], (N_BEH,), dtype=jnp.float32), 0.05)
    y_types = closest_one_percent(jax.random.uniform(ks[5], (N_BEH,), dtype=jnp.float32), 0.05)
    o_mask = jax.random.randint(ks[6], (N_BEH, N_OBJ), 0, 2).astype(bool)
    beh_weights = jax.random.uniform(ks[7], (N_BEH,), dtype=jnp.float32)
    return {"x": x, "p": p, "move_directions": move_directions, "dir_types": dir_types, "x_types": x_types, "y_types": y_types, "o_mask": o_mask, "beh_weights": beh_weights}

def reference(x, p, move_directions, dir_types, x_types, y_types, o_mask, beh_weights):
    # eval_behaviors: vectorized core of SmpReasoner.forward
    xs = jnp.repeat(x, N_BEH, axis=0)                      # [N_BEH, N_OBJ, N_PROP]
    o1 = xs[:, 0:1]                                        # [N_BEH, 1, N_PROP]
    o2 = xs[:, 1:]                                         # [N_BEH, N_OBJ-1, N_PROP]
    idx = jnp.arange(xs.shape[0])
    p1 = jnp.concatenate([o1[idx, :, p[:, 0]][..., None], o1[idx, :, p[:, 1]][..., None]], axis=-1)  # [N_BEH,1,2]
    p2 = jnp.concatenate([o2[idx, :, p[:, 0]][..., None], o2[idx, :, p[:, 1]][..., None]], axis=-1)  # [N_BEH,N_OBJ-1,2]
    p1_moved = one_step_move_o2o(p1, move_directions, STEP_DIST)
    dists = closest_one_percent(dist_a_and_b(p1_moved, p2), 0.05)
    dirs = dir_a_and_b_with_alignment(p1_moved, p2).reshape(-1, p2.shape[1])
    mask_dir_eq = dirs == dir_types[:, None]
    mask_x_eq = dists[:, :, 0] == x_types[:, None]
    mask_y_eq = dists[:, :, 1] == y_types[:, None]
    mask = mask_dir_eq & mask_x_eq & mask_y_eq
    mask = jnp.logical_and(mask, o_mask[:, 1:])            # mask[~o_mask[:,1:]] = False
    mask_sum = mask.sum(axis=1) > 0
    conf = mask_sum.astype(jnp.float32) * beh_weights
    return conf

if __name__ == "__main__":
    import jax
    _d = setup_inputs()
    print(jax.jit(kernel)(*tuple(_d.values())))

</pallas_src>

<mosaic_0001>
#map = affine_map<(d0, d1) -> (0, 0)>
#map1 = affine_map<(d0, d1) -> (0)>
module attributes {stable_mosaic.version = 14 : i64} {
  func.func @_sc_body(%arg0: i32, %arg1: i32, %arg2: memref<256x16xf32, #tpu.memory_space<hbm>>, %arg3: memref<13x4096xf32, #tpu.memory_space<hbm>>, %arg4: memref<256x4096xf32, #tpu.memory_space<hbm>>, %arg5: memref<4096xf32, #tpu.memory_space<hbm>>, %arg6: memref<256x16xf32, #tpu.memory_space<vmem>>, %arg7: memref<13x128xf32, #tpu.memory_space<vmem>>, %arg8: memref<256x128xf32, #tpu.memory_space<vmem>>, %arg9: memref<128xf32, #tpu.memory_space<vmem>>) attributes {dimension_semantics = [#tpu.dimension_semantics<core_parallel>, #tpu.dimension_semantics<subcore_parallel>], iteration_bounds = array<i64: 2, 16>, scalar_prefetch = 0 : i64, scratch_operands = 4 : i64, tpu.core_type = #tpu.core_type<sc_vector_subcore>, window_params = [{transform_indices = #map}, {transform_indices = #map}, {transform_indices = #map}, {transform_indices = #map1}]} {
    %mul3A = arith.constant 2 : i32
    %mul3A_0 = arith.muli %arg1, %mul3A : i32
    %add3A = arith.addi %mul3A_0, %arg0 : i32
    %mul3A_1 = arith.constant 128 : i32
    %mul3A_2 = arith.muli %add3A, %mul3A_1 : i32
    "tpu.region"() ({
      %run_scoped3A = tpu.sem_alloc : memref<!tpu.dma_semaphore, #tpu.memory_space<semaphore_mem>>
      tpu.enqueue_dma source(%arg2 : memref<256x16xf32, #tpu.memory_space<hbm>>) target(%arg6 : memref<256x16xf32, #tpu.memory_space<vmem>>) target_semaphore(%run_scoped3A : memref<!tpu.dma_semaphore, #tpu.memory_space<semaphore_mem>>)
      tpu.wait_dma2 semaphore(%run_scoped3A : memref<!tpu.dma_semaphore, #tpu.memory_space<semaphore_mem>>) src(%arg2 : memref<256x16xf32, #tpu.memory_space<hbm>>) dst(%arg6 : memref<256x16xf32, #tpu.memory_space<vmem>>)
      tpu.yield
    }) : () -> ()
    "tpu.region"() ({
      %run_scoped3A = tpu.sem_alloc : memref<!tpu.dma_semaphore, #tpu.memory_space<semaphore_mem>>
      %dma_start3A = arith.constant 0 : i32
      %dma_start3A_891 = tpu.memref_slice %arg3[%dma_start3A, %mul3A_2] : memref<13x4096xf32, #tpu.memory_space<hbm>> -> memref<13x128xf32, #tpu.memory_space<hbm>>
      %dma_start3A_892 = arith.constant 0 : i32
      %dma_start3A_893 = tpu.memref_slice %arg3[%dma_start3A_892, %mul3A_2] : memref<13x4096xf32, #tpu.memory_space<hbm>> -> memref<13x128xf32, #tpu.memory_space<hbm>>
      tpu.enqueue_dma source(%dma_start3A_893 : memref<13x128xf32, #tpu.memory_space<hbm>>) target(%arg7 : memref<13x128xf32, #tpu.memory_space<vmem>>) target_semaphore(%run_scoped3A : memref<!tpu.dma_semaphore, #tpu.memory_space<semaphore_mem>>)
      %dma_wait3A = arith.constant 0 : i32
      %dma_wait3A_894 = tpu.memref_slice %arg3[%dma_wait3A, %mul3A_2] : memref<13x4096xf32, #tpu.memory_space<hbm>> -> memref<13x128xf32, #tpu.memory_space<hbm>>
      %dma_wait3A_895 = arith.constant 0 : i32
      %dma_wait3A_896 = tpu.memref_slice %arg3[%dma_wait3A_895, %mul3A_2] : memref<13x4096xf32, #tpu.memory_space<hbm>> -> memref<13x128xf32, #tpu.memory_space<hbm>>
      tpu.wait_dma2 semaphore(%run_scoped3A : memref<!tpu.dma_semaphore, #tpu.memory_space<semaphore_mem>>) src(%dma_wait3A_896 : memref<13x128xf32, #tpu.memory_space<hbm>>) dst(%arg7 : memref<13x128xf32, #tpu.memory_space<vmem>>)
      tpu.yield
    }) : () -> ()
    "tpu.region"() ({
      %run_scoped3A = tpu.sem_alloc : memref<!tpu.dma_semaphore, #tpu.memory_space<semaphore_mem>>
      %dma_start3A = arith.constant 0 : i32
      %dma_start3A_891 = tpu.memref_slice %arg4[%dma_start3A, %mul3A_2] : memref<256x4096xf32, #tpu.memory_space<hbm>> -> memref<256x128xf32, #tpu.memory_space<hbm>>
      %dma_start3A_892 = arith.constant 0 : i32
      %dma_start3A_893 = tpu.memref_slice %arg4[%dma_start3A_892, %mul3A_2] : memref<256x4096xf32, #tpu.memory_space<hbm>> -> memref<256x128xf32, #tpu.memory_space<hbm>>
      tpu.enqueue_dma source(%dma_start3A_893 : memref<256x128xf32, #tpu.memory_space<hbm>>) target(%arg8 : memref<256x128xf32, #tpu.memory_space<vmem>>) target_semaphore(%run_scoped3A : memref<!tpu.dma_semaphore, #tpu.memory_space<semaphore_mem>>)
      %dma_wait3A = arith.constant 0 : i32
      %dma_wait3A_894 = tpu.memref_slice %arg4[%dma_wait3A, %mul3A_2] : memref<256x4096xf32, #tpu.memory_space<hbm>> -> memref<256x128xf32, #tpu.memory_space<hbm>>
      %dma_wait3A_895 = arith.constant 0 : i32
      %dma_wait3A_896 = tpu.memref_slice %arg4[%dma_wait3A_895, %mul3A_2] : memref<256x4096xf32, #tpu.memory_space<hbm>> -> memref<256x128xf32, #tpu.memory_space<hbm>>
      tpu.wait_dma2 semaphore(%run_scoped3A : memref<!tpu.dma_semaphore, #tpu.memory_space<semaphore_mem>>) src(%dma_wait3A_896 : memref<256x128xf32, #tpu.memory_space<hbm>>) dst(%arg8 : memref<256x128xf32, #tpu.memory_space<vmem>>)
      tpu.yield
    }) : () -> ()
    %get3A = arith.constant 0 : i32
    %get3A_3 = arith.index_cast %get3A : i32 to index
    %get3A_4 = arith.constant 0 : index
    %get3A_5 = tpu.vector_load %arg7[%get3A_3, %get3A_4] {strides = array<i32>} : memref<13x128xf32, #tpu.memory_space<vmem>>, vector<1x16xf32>,
    %get3A_6 = vector.shape_cast %get3A_5 : vector<1x16xf32> to vector<16xf32>
    %convert_element_type3A = arith.fptosi %get3A_6 : vector<16xf32> to vector<16xi32>
    %get3A_7 = arith.constant 1 : i32
    %get3A_8 = arith.index_cast %get3A_7 : i32 to index
    %get3A_9 = arith.constant 0 : index
    %get3A_10 = tpu.vector_load %arg7[%get3A_8, %get3A_9] {strides = array<i32>} : memref<13x128xf32, #tpu.memory_space<vmem>>, vector<1x16xf32>,
    %get3A_11 = vector.shape_cast %get3A_10 : vector<1x16xf32> to vector<16xf32>
    %convert_element_type3A_12 = arith.fptosi %get3A_11 : vector<16xf32> to vector<16xi32>
    %get3A_13 = arith.constant 0 : i32
    %get3A_14 = arith.index_cast %get3A_13 : i32 to index
    %get3A_15 = arith.constant 0 : index
    %get3A_16 = tpu.vector_load %arg6[%get3A_14, %get3A_15] {strides = array<i32>} : memref<256x16xf32, #tpu.memory_space<vmem>>, vector<1x16xf32>,
    %get3A_17 = vector.shape_cast %get3A_16 : vector<1x16xf32> to vector<16xf32>
    %broadcast_in_dim3A = vector.shape_cast %convert_element_type3A : vector<16xi32> to vector<16x1xi32>
    %gather3A = vector.shape_cast %broadcast_in_dim3A : vector<16x1xi32> to vector<16xi32>
    %gather3A_18 = tpu.dynamic_gather %get3A_17[%gather3A] in [0] : vector<16xf32>, vector<16xi32> -> vector<16xf32>
    %get3A_19 = arith.constant 2 : i32
    %get3A_20 = arith.index_cast %get3A_19 : i32 to index
    %get3A_21 = arith.constant 0 : index
    %get3A_22 = tpu.vector_load %arg7[%get3A_20, %get3A_21] {strides = array<i32>} : memref<13x128xf32, #tpu.memory_space<vmem>>, vector<1x16xf32>,
    %get3A_23 = vector.shape_cast %get3A_22 : vector<1x16xf32> to vector<16xf32>
    %add3A_24 = arith.addf %gather3A_18, %get3A_23 : vector<16xf32>
    %broadcast_in_dim3A_25 = vector.shape_cast %convert_element_type3A_12 : vector<16xi32> to vector<16x1xi32>
    %gather3A_26 = vector.shape_cast %broadcast_in_dim3A_25 : vector<16x1xi32> to vector<16xi32>
    %gather3A_27 = tpu.dynamic_gather %get3A_17[%gather3A_26] in [0] : vector<16xf32>, vector<16xi32> -> vector<16xf32>
    %get3A_28 = arith.constant 3 : i32
    %get3A_29 = arith.index_cast %get3A_28 : i32 to index
    %get3A_30 = arith.constant 0 : index
    %get3A_31 = tpu.vector_load %arg7[%get3A_29, %get3A_30] {strides = array<i32>} : memref<13x128xf32, #tpu.memory_space<vmem>>, vector<1x16xf32>,
    %get3A_32 = vector.shape_cast %get3A_31 : vector<1x16xf32> to vector<16xf32>
    %add3A_33 = arith.addf %gather3A_27, %get3A_32 : vector<16xf32>
    %get3A_34 = arith.constant 4 : i32
    %get3A_35 = arith.index_cast %get3A_34 : i32 to index
    %get3A_36 = arith.constant 0 : index
    %get3A_37 = tpu.vector_load %arg7[%get3A_35, %get3A_36] {strides = array<i32>} : memref<13x128xf32, #tpu.memory_space<vmem>>, vector<1x16xf32>,
    %get3A_38 = vector.shape_cast %get3A_37 : vector<1x16xf32> to vector<16xf32>
    %get3A_39 = arith.constant 5 : i32
    %get3A_40 = arith.index_cast %get3A_39 : i32 to index
    %get3A_41 = arith.constant 0 : index
    %get3A_42 = tpu.vector_load %arg7[%get3A_40, %get3A_41] {strides = array<i32>} : memref<13x128xf32, #tpu.memory_space<vmem>>, vector<1x16xf32>,
    %get3A_43 = vector.shape_cast %get3A_42 : vector<1x16xf32> to vector<16xf32>
    %get3A_44 = arith.constant 6 : i32
    %get3A_45 = arith.index_cast %get3A_44 : i32 to index
    %get3A_46 = arith.constant 0 : index
    %get3A_47 = tpu.vector_load %arg7[%get3A_45, %get3A_46] {strides = array<i32>} : memref<13x128xf32, #tpu.memory_space<vmem>>, vector<1x16xf32>,
    %get3A_48 = vector.shape_cast %get3A_47 : vector<1x16xf32> to vector<16xf32>
    %get3A_49 = arith.constant 7 : i32
    %get3A_50 = arith.index_cast %get3A_49 : i32 to index
    %get3A_51 = arith.constant 0 : index
    %get3A_52 = tpu.vector_load %arg7[%get3A_50, %get3A_51] {strides = array<i32>} : memref<13x128xf32, #tpu.memory_space<vmem>>, vector<1x16xf32>,
    %get3A_53 = vector.shape_cast %get3A_52 : vector<1x16xf32> to vector<16xf32>
    %get3A_54 = arith.constant 8 : i32
    %get3A_55 = arith.index_cast %get3A_54 : i32 to index
    %get3A_56 = arith.constant 0 : index
    %get3A_57 = tpu.vector_load %arg7[%get3A_55, %get3A_56] {strides = array<i32>} : memref<13x128xf32, #tpu.memory_space<vmem>>, vector<1x16xf32>,
    %get3A_58 = vector.shape_cast %get3A_57 : vector<1x16xf32> to vector<16xf32>
    %get3A_59 = arith.constant 9 : i32
    %get3A_60 = arith.index_cast %get3A_59 : i32 to index
    %get3A_61 = arith.constant 0 : index
    %get3A_62 = tpu.vector_load %arg7[%get3A_60, %get3A_61] {strides = array<i32>} : memref<13x128xf32, #tpu.memory_space<vmem>>, vector<1x16xf32>,
    %get3A_63 = vector.shape_cast %get3A_62 : vector<1x16xf32> to vector<16xf32>
    %get3A_64 = arith.constant 10 : i32
    %get3A_65 = arith.index_cast %get3A_64 : i32 to index
    %get3A_66 = arith.constant 0 : index
    %get3A_67 = tpu.vector_load %arg7[%get3A_65, %get3A_66] {strides = array<i32>} : memref<13x128xf32, #tpu.memory_space<vmem>>, vector<1x16xf32>,
    %get3A_68 = vector.shape_cast %get3A_67 : vector<1x16xf32> to vector<16xf32>
    %get3A_69 = arith.constant 11 : i32
    %get3A_70 = arith.index_cast %get3A_69 : i32 to index
    %get3A_71 = arith.constant 0 : index
    %get3A_72 = tpu.vector_load %arg7[%get3A_70, %get3A_71] {strides = array<i32>} : memref<13x128xf32, #tpu.memory_space<vmem>>, vector<1x16xf32>,
    %get3A_73 = vector.shape_cast %get3A_72 : vector<1x16xf32> to vector<16xf32>
    %broadcast_in_dim3A_74 = arith.constant -1.000000e+00 : f32
    %broadcast_in_dim3A_75 = vector.broadcast %broadcast_in_dim3A_74 : f32 to vector<16xf32>
    %scan3A = arith.constant 0 : i32
    %scan3A_76 = arith.constant 256 : i32
    %scan3A_77 = arith.addi %scan3A, %scan3A_76 : i32
    %scan3A_78 = arith.constant 1 : i32
    %scan3A_79 = scf.for %scan3A_891 = %scan3A to %scan3A_77 step %scan3A_78 iter_args(%scan3A_892 = %broadcast_in_dim3A_75) -> (vector<16xf32>)  : i32 {
      %get3A_893 = arith.index_cast %scan3A_891 : i32 to index
      %get3A_894 = arith.constant 0 : index
      %get3A_895 = tpu.vector_load %arg6[%get3A_893, %get3A_894] {strides = array<i32>} : memref<256x16xf32, #tpu.memory_space<vmem>>, vector<1x16xf32>,
      %get3A_896 = vector.shape_cast %get3A_895 : vector<1x16xf32> to vector<16xf32>
      %broadcast_in_dim3A_897 = vector.shape_cast %convert_element_type3A : vector<16xi32> to vector<16x1xi32>
      %gather3A_898 = vector.shape_cast %broadcast_in_dim3A_897 : vector<16x1xi32> to vector<16xi32>
      %gather3A_899 = tpu.dynamic_gather %get3A_896[%gather3A_898] in [0] : vector<16xf32>, vector<16xi32> -> vector<16xf32>
      %broadcast_in_dim3A_900 = vector.shape_cast %convert_element_type3A_12 : vector<16xi32> to vector<16x1xi32>
      %gather3A_901 = vector.shape_cast %broadcast_in_dim3A_900 : vector<16x1xi32> to vector<16xi32>
      %gather3A_902 = tpu.dynamic_gather %get3A_896[%gather3A_901] in [0] : vector<16xf32>, vector<16xi32> -> vector<16xf32>
      %get3A_903 = arith.index_cast %scan3A_891 : i32 to index
      %get3A_904 = arith.constant 0 : index
      %get3A_905 = tpu.vector_load %arg8[%get3A_903, %get3A_904] {strides = array<i32>} : memref<256x128xf32, #tpu.memory_space<vmem>>, vector<1x16xf32>,
      %get3A_906 = vector.shape_cast %get3A_905 : vector<1x16xf32> to vector<16xf32>
      %sub3A = arith.subf %gather3A_899, %add3A_24 : vector<16xf32>
      %sub3A_907 = arith.subf %gather3A_902, %add3A_33 : vector<16xf32>
      %abs3A = math.absf %sub3A : vector<16xf32>
      %abs3A_908 = math.absf %sub3A_907 : vector<16xf32>
      %sub3A_909 = arith.subf %abs3A, %get3A_38 : vector<16xf32>
      %sub3A_910 = arith.subf %get3A_43, %abs3A : vector<16xf32>
      %min3A_911 = arith.minimumf %sub3A_909, %sub3A_910 : vector<16xf32>
      %sub3A_912 = arith.subf %abs3A_908, %get3A_48 : vector<16xf32>
      %sub3A_913 = arith.subf %get3A_53, %abs3A_908 : vector<16xf32>
      %min3A_914 = arith.minimumf %sub3A_912, %sub3A_913 : vector<16xf32>
      %mul3A_915 = arith.mulf %sub3A, %get3A_58 : vector<16xf32>
      %mul3A_916 = arith.mulf %sub3A_907, %get3A_63 : vector<16xf32>
      %add3A_917 = arith.addf %mul3A_915, %mul3A_916 : vector<16xf32>
      %mul3A_918 = arith.mulf %sub3A_907, %get3A_58 : vector<16xf32>
      %mul3A_919 = arith.mulf %sub3A, %get3A_63 : vector<16xf32>
      %sub3A_920 = arith.subf %mul3A_918, %mul3A_919 : vector<16xf32>
      %mul3A_921 = arith.constant 0.414213568 : f32
      %mul3A_922 = vector.broadcast %mul3A_921 : f32 to vector<16xf32>
      %mul3A_923 = arith.mulf %mul3A_922, %add3A_917 : vector<16xf32>
      %abs3A_924 = math.absf %sub3A_920 : vector<16xf32>
      %sub3A_925 = arith.subf %mul3A_923, %abs3A_924 : vector<16xf32>
      %mul3A_926 = arith.mulf %get3A_73, %sub3A_920 : vector<16xf32>
      %add3A_927 = arith.addf %get3A_68, %mul3A_926 : vector<16xf32>
      %min3A_928 = arith.minimumf %min3A_911, %min3A_914 : vector<16xf32>
      %min3A_929 = arith.minimumf %sub3A_925, %add3A_927 : vector<16xf32>
      %min3A_930 = arith.minimumf %min3A_929, %get3A_906 : vector<16xf32>
      %min3A_931 = arith.minimumf %min3A_928, %min3A_930 : vector<16xf32>
      %max3A = arith.maximumf %scan3A_892, %min3A_931 : vector<16xf32>
      scf.yield %max3A : vector<16xf32>
    }
    %scan3A_80 = arith.constant 256 : i32
    %sign3A = tpu.bitcast %scan3A_79 : vector<16xf32> -> vector<16xi32>
    %sign3A_81 = arith.constant -2147483648 : i32
    %sign3A_82 = vector.broadcast %sign3A_81 : i32 to vector<16xi32>
    %sign3A_83 = arith.andi %sign3A, %sign3A_82 : vector<16xi32>
    %sign3A_84 = arith.constant 1065353216 : i32
    %sign3A_85 = vector.broadcast %sign3A_84 : i32 to vector<16xi32>
    %sign3A_86 = arith.ori %sign3A_85, %sign3A_83 : vector<16xi32>
    %sign3A_87 = tpu.bitcast %sign3A_86 : vector<16xi32> -> vector<16xf32>
    %sign3A_88 = math.absf %scan3A_79 : vector<16xf32>
    %sign3A_89 = arith.constant 0.000000e+00 : f32
    %sign3A_90 = vector.broadcast %sign3A_89 : f32 to vector<16xf32>
    %sign3A_91 = arith.cmpf ogt, %sign3A_88, %sign3A_90 : vector<16xf32>
    %sign3A_92 = arith.select %sign3A_91, %sign3A_87, %scan3A_79 : vector<16xi1>, vector<16xf32>
    %add3A_93 = arith.constant 1.000000e+00 : f32
    %add3A_94 = vector.broadcast %add3A_93 : f32 to vector<16xf32>
    %add3A_95 = arith.addf %sign3A_92, %add3A_94 : vector<16xf32>
    %min3A = arith.constant 1.000000e+00 : f32
    %min3A_96 = vector.broadcast %min3A : f32 to vector<16xf32>
    %min3A_97 = arith.minimumf %add3A_95, %min3A_96 : vector<16xf32>
    %get3A_98 = arith.constant 12 : i32
    %get3A_99 = arith.index_cast %get3A_98 : i32 to index
    %get3A_100 = arith.constant 0 : index
    %get3A_101 = tpu.vector_load %arg7[%get3A_99, %get3A_100] {strides = array<i32>} : memref<13x128xf32, #tpu.memory_space<vmem>>, vector<1x16xf32>,
    %get3A_102 = vector.shape_cast %get3A_101 : vector<1x16xf32> to vector<16xf32>
    %mul3A_103 = arith.mulf %min3A_97, %get3A_102 : vector<16xf32>
    %swap3A = arith.constant 0 : index
    %swap3A_104 = tpu.vector_load %arg9[%swap3A] {strides = array<i32>} : memref<128xf32, #tpu.memory_space<vmem>>, vector<16xf32>,
    %swap3A_105 = vector.shape_cast %swap3A_104 : vector<16xf32> to vector<16xf32>
    %swap3A_106 = vector.shape_cast %mul3A_103 : vector<16xf32> to vector<16xf32>
    tpu.vector_store %arg9[%swap3A], %swap3A_106 {strides = array<i32>} : memref<128xf32, #tpu.memory_space<vmem>>, vector<16xf32>,
    %get3A_107 = arith.constant 0 : i32
    %get3A_108 = arith.index_cast %get3A_107 : i32 to index
    %get3A_109 = arith.constant 16 : index
    %get3A_110 = tpu.vector_load %arg7[%get3A_108, %get3A_109] {strides = array<i32>} : memref<13x128xf32, #tpu.memory_space<vmem>>, vector<1x16xf32>,
    %get3A_111 = vector.shape_cast %get3A_110 : vector<1x16xf32> to vector<16xf32>
    %convert_element_type3A_112 = arith.fptosi %get3A_111 : vector<16xf32> to vector<16xi32>
    %get3A_113 = arith.constant 1 : i32
    %get3A_114 = arith.index_cast %get3A_113 : i32 to index
    %get3A_115 = arith.constant 16 : index
    %get3A_116 = tpu.vector_load %arg7[%get3A_114, %get3A_115] {strides = array<i32>} : memref<13x128xf32, #tpu.memory_space<vmem>>, vector<1x16xf32>,
    %get3A_117 = vector.shape_cast %get3A_116 : vector<1x16xf32> to vector<16xf32>
    %convert_element_type3A_118 = arith.fptosi %get3A_117 : vector<16xf32> to vector<16xi32>
    %get3A_119 = arith.constant 0 : i32
    %get3A_120 = arith.index_cast %get3A_119 : i32 to index
    %get3A_121 = arith.constant 0 : index
    %get3A_122 = tpu.vector_load %arg6[%get3A_120, %get3A_121] {strides = array<i32>} : memref<256x16xf32, #tpu.memory_space<vmem>>, vector<1x16xf32>,
    %get3A_123 = vector.shape_cast %get3A_122 : vector<1x16xf32> to vector<16xf32>
    %broadcast_in_dim3A_124 = vector.shape_cast %convert_element_type3A_112 : vector<16xi32> to vector<16x1xi32>
    %gather3A_125 = vector.shape_cast %broadcast_in_dim3A_124 : vector<16x1xi32> to vector<16xi32>
    %gather3A_126 = tpu.dynamic_gather %get3A_123[%gather3A_125] in [0] : vector<16xf32>, vector<16xi32> -> vector<16xf32>
    %get3A_127 = arith.constant 2 : i32
    %get3A_128 = arith.index_cast %get3A_127 : i32 to index
    %get3A_129 = arith.constant 16 : index
    %get3A_130 = tpu.vector_load %arg7[%get3A_128, %get3A_129] {strides = array<i32>} : memref<13x128xf32, #tpu.memory_space<vmem>>, vector<1x16xf32>,
    %get3A_131 = vector.shape_cast %get3A_130 : vector<1x16xf32> to vector<16xf32>
    %add3A_132 = arith.addf %gather3A_126, %get3A_131 : vector<16xf32>
    %broadcast_in_dim3A_133 = vector.shape_cast %convert_element_type3A_118 : vector<16xi32> to vector<16x1xi32>
    %gather3A_134 = vector.shape_cast %broadcast_in_dim3A_133 : vector<16x1xi32> to vector<16xi32>
    %gather3A_135 = tpu.dynamic_gather %get3A_123[%gather3A_134] in [0] : vector<16xf32>, vector<16xi32> -> vector<16xf32>
    %get3A_136 = arith.constant 3 : i32
    %get3A_137 = arith.index_cast %get3A_136 : i32 to index
    %get3A_138 = arith.constant 16 : index
    %get3A_139 = tpu.vector_load %arg7[%get3A_137, %get3A_138] {strides = array<i32>} : memref<13x128xf32, #tpu.memory_space<vmem>>, vector<1x16xf32>,
    %get3A_140 = vector.shape_cast %get3A_139 : vector<1x16xf32> to vector<16xf32>
    %add3A_141 = arith.addf %gather3A_135, %get3A_140 : vector<16xf32>
    %get3A_142 = arith.constant 4 : i32
    %get3A_143 = arith.index_cast %get3A_142 : i32 to index
    %get3A_144 = arith.constant 16 : index
    %get3A_145 = tpu.vector_load %arg7[%get3A_143, %get3A_144] {strides = array<i32>} : memref<13x128xf32, #tpu.memory_space<vmem>>, vector<1x16xf32>,
    %get3A_146 = vector.shape_cast %get3A_145 : vector<1x16xf32> to vector<16xf32>
    %get3A_147 = arith.constant 5 : i32
    %get3A_148 = arith.index_cast %get3A_147 : i32 to index
    %get3A_149 = arith.constant 16 : index
    %get3A_150 = tpu.vector_load %arg7[%get3A_148, %get3A_149] {strides = array<i32>} : memref<13x128xf32, #tpu.memory_space<vmem>>, vector<1x16xf32>,
    %get3A_151 = vector.shape_cast %get3A_150 : vector<1x16xf32> to vector<16xf32>
    %get3A_152 = arith.constant 6 : i32
    %get3A_153 = arith.index_cast %get3A_152 : i32 to index
    %get3A_154 = arith.constant 16 : index
    %get3A_155 = tpu.vector_load %arg7[%get3A_153, %get3A_154] {strides = array<i32>} : memref<13x128xf32, #tpu.memory_space<vmem>>, vector<1x16xf32>,
    %get3A_156 = vector.shape_cast %get3A_155 : vector<1x16xf32> to vector<16xf32>
    %get3A_157 = arith.constant 7 : i32
    %get3A_158 = arith.index_cast %get3A_157 : i32 to index
    %get3A_159 = arith.constant 16 : index
    %get3A_160 = tpu.vector_load %arg7[%get3A_158, %get3A_159] {strides = array<i32>} : memref<13x128xf32, #tpu.memory_space<vmem>>, vector<1x16xf32>,
    %get3A_161 = vector.shape_cast %get3A_160 : vector<1x16xf32> to vector<16xf32>
    %get3A_162 = arith.constant 8 : i32
    %get3A_163 = arith.index_cast %get3A_162 : i32 to index
    %get3A_164 = arith.constant 16 : index
    %get3A_165 = tpu.vector_load %arg7[%get3A_163, %get3A_164] {strides = array<i32>} : memref<13x128xf32, #tpu.memory_space<vmem>>, vector<1x16xf32>,
    %get3A_166 = vector.shape_cast %get3A_165 : vector<1x16xf32> to vector<16xf32>
    %get3A_167 = arith.constant 9 : i32
    %get3A_168 = arith.index_cast %get3A_167 : i32 to index
    %get3A_169 = arith.constant 16 : index
    %get3A_170 = tpu.vector_load %arg7[%get3A_168, %get3A_169] {strides = array<i32>} : memref<13x128xf32, #tpu.memory_space<vmem>>, vector<1x16xf32>,
    %get3A_171 = vector.shape_cast %get3A_170 : vector<1x16xf32> to vector<16xf32>
    %get3A_172 = arith.constant 10 : i32
    %get3A_173 = arith.index_cast %get3A_172 : i32 to index
    %get3A_174 = arith.constant 16 : index
    %get3A_175 = tpu.vector_load %arg7[%get3A_173, %get3A_174] {strides = array<i32>} : memref<13x128xf32, #tpu.memory_space<vmem>>, vector<1x16xf32>,
    %get3A_176 = vector.shape_cast %get3A_175 : vector<1x16xf32> to vector<16xf32>
    %get3A_177 = arith.constant 11 : i32
    %get3A_178 = arith.index_cast %get3A_177 : i32 to index
    %get3A_179 = arith.constant 16 : index
    %get3A_180 = tpu.vector_load %arg7[%get3A_178, %get3A_179] {strides = array<i32>} : memref<13x128xf32, #tpu.memory_space<vmem>>, vector<1x16xf32>,
    %get3A_181 = vector.shape_cast %get3A_180 : vector<1x16xf32> to vector<16xf32>
    %broadcast_in_dim3A_182 = arith.constant -1.000000e+00 : f32
    %broadcast_in_dim3A_183 = vector.broadcast %broadcast_in_dim3A_182 : f32 to vector<16xf32>
    %scan3A_184 = arith.constant 0 : i32
    %scan3A_185 = arith.constant 256 : i32
    %scan3A_186 = arith.addi %scan3A_184, %scan3A_185 : i32
    %scan3A_187 = arith.constant 1 : i32
    %scan3A_188 = scf.for %scan3A_891 = %scan3A_184 to %scan3A_186 step %scan3A_187 iter_args(%scan3A_892 = %broadcast_in_dim3A_183) -> (vector<16xf32>)  : i32 {
      %get3A_893 = arith.index_cast %scan3A_891 : i32 to index
      %get3A_894 = arith.constant 0 : index
      %get3A_895 = tpu.vector_load %arg6[%get3A_893, %get3A_894] {strides = array<i32>} : memref<256x16xf32, #tpu.memory_space<vmem>>, vector<1x16xf32>,
      %get3A_896 = vector.shape_cast %get3A_895 : vector<1x16xf32> to vector<16xf32>
      %broadcast_in_dim3A_897 = vector.shape_cast %convert_element_type3A_112 : vector<16xi32> to vector<16x1xi32>
      %gather3A_898 = vector.shape_cast %broadcast_in_dim3A_897 : vector<16x1xi32> to vector<16xi32>
      %gather3A_899 = tpu.dynamic_gather %get3A_896[%gather3A_898] in [0] : vector<16xf32>, vector<16xi32> -> vector<16xf32>
      %broadcast_in_dim3A_900 = vector.shape_cast %convert_element_type3A_118 : vector<16xi32> to vector<16x1xi32>
      %gather3A_901 = vector.shape_cast %broadcast_in_dim3A_900 : vector<16x1xi32> to vector<16xi32>
      %gather3A_902 = tpu.dynamic_gather %get3A_896[%gather3A_901] in [0] : vector<16xf32>, vector<16xi32> -> vector<16xf32>
      %get3A_903 = arith.index_cast %scan3A_891 : i32 to index
      %get3A_904 = arith.constant 16 : index
      %get3A_905 = tpu.vector_load %arg8[%get3A_903, %get3A_904] {strides = array<i32>} : memref<256x128xf32, #tpu.memory_space<vmem>>, vector<1x16xf32>,
      %get3A_906 = vector.shape_cast %get3A_905 : vector<1x16xf32> to vector<16xf32>
      %sub3A = arith.subf %gather3A_899, %add3A_132 : vector<16xf32>
      %sub3A_907 = arith.subf %gather3A_902, %add3A_141 : vector<16xf32>
      %abs3A = math.absf %sub3A : vector<16xf32>
      %abs3A_908 = math.absf %sub3A_907 : vector<16xf32>
      %sub3A_909 = arith.subf %abs3A, %get3A_146 : vector<16xf32>
      %sub3A_910 = arith.subf %get3A_151, %abs3A : vector<16xf32>
      %min3A_911 = arith.minimumf %sub3A_909, %sub3A_910 : vector<16xf32>
      %sub3A_912 = arith.subf %abs3A_908, %get3A_156 : vector<16xf32>
      %sub3A_913 = arith.subf %get3A_161, %abs3A_908 : vector<16xf32>
      %min3A_914 = arith.minimumf %sub3A_912, %sub3A_913 : vector<16xf32>
      %mul3A_915 = arith.mulf %sub3A, %get3A_166 : vector<16xf32>
      %mul3A_916 = arith.mulf %sub3A_907, %get3A_171 : vector<16xf32>
      %add3A_917 = arith.addf %mul3A_915, %mul3A_916 : vector<16xf32>
      %mul3A_918 = arith.mulf %sub3A_907, %get3A_166 : vector<16xf32>
      %mul3A_919 = arith.mulf %sub3A, %get3A_171 : vector<16xf32>
      %sub3A_920 = arith.subf %mul3A_918, %mul3A_919 : vector<16xf32>
      %mul3A_921 = arith.constant 0.414213568 : f32
      %mul3A_922 = vector.broadcast %mul3A_921 : f32 to vector<16xf32>
      %mul3A_923 = arith.mulf %mul3A_922, %add3A_917 : vector<16xf32>
      %abs3A_924 = math.absf %sub3A_920 : vector<16xf32>
      %sub3A_925 = arith.subf %mul3A_923, %abs3A_924 : vector<16xf32>
      %mul3A_926 = arith.mulf %get3A_181, %sub3A_920 : vector<16xf32>
      %add3A_927 = arith.addf %get3A_176, %mul3A_926 : vector<16xf32>
      %min3A_928 = arith.minimumf %min3A_911, %min3A_914 : vector<16xf32>
      %min3A_929 = arith.minimumf %sub3A_925, %add3A_927 : vector<16xf32>
      %min3A_930 = arith.minimumf %min3A_929, %get3A_906 : vector<16xf32>
      %min3A_931 = arith.minimumf %min3A_928, %min3A_930 : vector<16xf32>
      %max3A = arith.maximumf %scan3A_892, %min3A_931 : vector<16xf32>
      scf.yield %max3A : vector<16xf32>
    }
    %scan3A_189 = arith.constant 256 : i32
    %sign3A_190 = tpu.bitcast %scan3A_188 : vector<16xf32> -> vector<16xi32>
    %sign3A_191 = arith.constant -2147483648 : i32
    %sign3A_192 = vector.broadcast %sign3A_191 : i32 to vector<16xi32>
    %sign3A_193 = arith.andi %sign3A_190, %sign3A_192 : vector<16xi32>
    %sign3A_194 = arith.constant 1065353216 : i32
    %sign3A_195 = vector.broadcast %sign3A_194 : i32 to vector<16xi32>
    %sign3A_196 = arith.ori %sign3A_195, %sign3A_193 : vector<16xi32>
    %sign3A_197 = tpu.bitcast %sign3A_196 : vector<16xi32> -> vector<16xf32>
    %sign3A_198 = math.absf %scan3A_188 : vector<16xf32>
    %sign3A_199 = arith.constant 0.000000e+00 : f32
    %sign3A_200 = vector.broadcast %sign3A_199 : f32 to vector<16xf32>
    %sign3A_201 = arith.cmpf ogt, %sign3A_198, %sign3A_200 : vector<16xf32>
    %sign3A_202 = arith.select %sign3A_201, %sign3A_197, %scan3A_188 : vector<16xi1>, vector<16xf32>
    %add3A_203 = arith.constant 1.000000e+00 : f32
    %add3A_204 = vector.broadcast %add3A_203 : f32 to vector<16xf32>
    %add3A_205 = arith.addf %sign3A_202, %add3A_204 : vector<16xf32>
    %min3A_206 = arith.constant 1.000000e+00 : f32
    %min3A_207 = vector.broadcast %min3A_206 : f32 to vector<16xf32>
    %min3A_208 = arith.minimumf %add3A_205, %min3A_207 : vector<16xf32>
    %get3A_209 = arith.constant 12 : i32
    %get3A_210 = arith.index_cast %get3A_209 : i32 to index
    %get3A_211 = arith.constant 16 : index
    %get3A_212 = tpu.vector_load %arg7[%get3A_210, %get3A_211] {strides = array<i32>} : memref<13x128xf32, #tpu.memory_space<vmem>>, vector<1x16xf32>,
    %get3A_213 = vector.shape_cast %get3A_212 : vector<1x16xf32> to vector<16xf32>
    %mul3A_214 = arith.mulf %min3A_208, %get3A_213 : vector<16xf32>
    %swap3A_215 = arith.constant 16 : index
    %swap3A_216 = tpu.vector_load %arg9[%swap3A_215] {strides = array<i32>} : memref<128xf32, #tpu.memory_space<vmem>>, vector<16xf32>,
    %swap3A_217 = vector.shape_cast %swap3A_216 : vector<16xf32> to vector<16xf32>
    %swap3A_218 = vector.shape_cast %mul3A_214 : vector<16xf32> to vector<16xf32>
    tpu.vector_store %arg9[%swap3A_215], %swap3A_218 {strides = array<i32>} : memref<128xf32, #tpu.memory_space<vmem>>, vector<16xf32>,
    %get3A_219 = arith.constant 0 : i32
    %get3A_220 = arith.index_cast %get3A_219 : i32 to index
    %get3A_221 = arith.constant 32 : index
    %get3A_222 = tpu.vector_load %arg7[%get3A_220, %get3A_221] {strides = array<i32>} : memref<13x128xf32, #tpu.memory_space<vmem>>, vector<1x16xf32>,
    %get3A_223 = vector.shape_cast %get3A_222 : vector<1x16xf32> to vector<16xf32>
    %convert_element_type3A_224 = arith.fptosi %get3A_223 : vector<16xf32> to vector<16xi32>
    %get3A_225 = arith.constant 1 : i32
    %get3A_226 = arith.index_cast %get3A_225 : i32 to index
    %get3A_227 = arith.constant 32 : index
    %get3A_228 = tpu.vector_load %arg7[%get3A_226, %get3A_227] {strides = array<i32>} : memref<13x128xf32, #tpu.memory_space<vmem>>, vector<1x16xf32>,
    %get3A_229 = vector.shape_cast %get3A_228 : vector<1x16xf32> to vector<16xf32>
    %convert_element_type3A_230 = arith.fptosi %get3A_229 : vector<16xf32> to vector<16xi32>
    %get3A_231 = arith.constant 0 : i32
    %get3A_232 = arith.index_cast %get3A_231 : i32 to index
    %get3A_233 = arith.constant 0 : index
    %get3A_234 = tpu.vector_load %arg6[%get3A_232, %get3A_233] {strides = array<i32>} : memref<256x16xf32, #tpu.memory_space<vmem>>, vector<1x16xf32>,
    %get3A_235 = vector.shape_cast %get3A_234 : vector<1x16xf32> to vector<16xf32>
    %broadcast_in_dim3A_236 = vector.shape_cast %convert_element_type3A_224 : vector<16xi32> to vector<16x1xi32>
    %gather3A_237 = vector.shape_cast %broadcast_in_dim3A_236 : vector<16x1xi32> to vector<16xi32>
    %gather3A_238 = tpu.dynamic_gather %get3A_235[%gather3A_237] in [0] : vector<16xf32>, vector<16xi32> -> vector<16xf32>
    %get3A_239 = arith.constant 2 : i32
    %get3A_240 = arith.index_cast %get3A_239 : i32 to index
    %get3A_241 = arith.constant 32 : index
    %get3A_242 = tpu.vector_load %arg7[%get3A_240, %get3A_241] {strides = array<i32>} : memref<13x128xf32, #tpu.memory_space<vmem>>, vector<1x16xf32>,
    %get3A_243 = vector.shape_cast %get3A_242 : vector<1x16xf32> to vector<16xf32>
    %add3A_244 = arith.addf %gather3A_238, %get3A_243 : vector<16xf32>
    %broadcast_in_dim3A_245 = vector.shape_cast %convert_element_type3A_230 : vector<16xi32> to vector<16x1xi32>
    %gather3A_246 = vector.shape_cast %broadcast_in_dim3A_245 : vector<16x1xi32> to vector<16xi32>
    %gather3A_247 = tpu.dynamic_gather %get3A_235[%gather3A_246] in [0] : vector<16xf32>, vector<16xi32> -> vector<16xf32>
    %get3A_248 = arith.constant 3 : i32
    %get3A_249 = arith.index_cast %get3A_248 : i32 to index
    %get3A_250 = arith.constant 32 : index
    %get3A_251 = tpu.vector_load %arg7[%get3A_249, %get3A_250] {strides = array<i32>} : memref<13x128xf32, #tpu.memory_space<vmem>>, vector<1x16xf32>,
    %get3A_252 = vector.shape_cast %get3A_251 : vector<1x16xf32> to vector<16xf32>
    %add3A_253 = arith.addf %gather3A_247, %get3A_252 : vector<16xf32>
    %get3A_254 = arith.constant 4 : i32
    %get3A_255 = arith.index_cast %get3A_254 : i32 to index
    %get3A_256 = arith.constant 32 : index
    %get3A_257 = tpu.vector_load %arg7[%get3A_255, %get3A_256] {strides = array<i32>} : memref<13x128xf32, #tpu.memory_space<vmem>>, vector<1x16xf32>,
    %get3A_258 = vector.shape_cast %get3A_257 : vector<1x16xf32> to vector<16xf32>
    %get3A_259 = arith.constant 5 : i32
    %get3A_260 = arith.index_cast %get3A_259 : i32 to index
    %get3A_261 = arith.constant 32 : index
    %get3A_262 = tpu.vector_load %arg7[%get3A_260, %get3A_261] {strides = array<i32>} : memref<13x128xf32, #tpu.memory_space<vmem>>, vector<1x16xf32>,
    %get3A_263 = vector.shape_cast %get3A_262 : vector<1x16xf32> to vector<16xf32>
    %get3A_264 = arith.constant 6 : i32
    %get3A_265 = arith.index_cast %get3A_264 : i32 to index
    %get3A_266 = arith.constant 32 : index
    %get3A_267 = tpu.vector_load %arg7[%get3A_265, %get3A_266] {strides = array<i32>} : memref<13x128xf32, #tpu.memory_space<vmem>>, vector<1x16xf32>,
    %get3A_268 = vector.shape_cast %get3A_267 : vector<1x16xf32> to vector<16xf32>
    %get3A_269 = arith.constant 7 : i32
    %get3A_270 = arith.index_cast %get3A_269 : i32 to index
    %get3A_271 = arith.constant 32 : index
    %get3A_272 = tpu.vector_load %arg7[%get3A_270, %get3A_271] {strides = array<i32>} : memref<13x128xf32, #tpu.memory_space<vmem>>, vector<1x16xf32>,
    %get3A_273 = vector.shape_cast %get3A_272 : vector<1x16xf32> to vector<16xf32>
    %get3A_274 = arith.constant 8 : i32
    %get3A_275 = arith.index_cast %get3A_274 : i32 to index
    %get3A_276 = arith.constant 32 : index
    %get3A_277 = tpu.vector_load %arg7[%get3A_275, %get3A_276] {strides = array<i32>} : memref<13x128xf32, #tpu.memory_space<vmem>>, vector<1x16xf32>,
    %get3A_278 = vector.shape_cast %get3A_277 : vector<1x16xf32> to vector<16xf32>
    %get3A_279 = arith.constant 9 : i32
    %get3A_280 = arith.index_cast %get3A_279 : i32 to index
    %get3A_281 = arith.constant 32 : index
    %get3A_282 = tpu.vector_load %arg7[%get3A_280, %get3A_281] {strides = array<i32>} : memref<13x128xf32, #tpu.memory_space<vmem>>, vector<1x16xf32>,
    %get3A_283 = vector.shape_cast %get3A_282 : vector<1x16xf32> to vector<16xf32>
    %get3A_284 = arith.constant 10 : i32
    %get3A_285 = arith.index_cast %get3A_284 : i32 to index
    %get3A_286 = arith.constant 32 : index
    %get3A_287 = tpu.vector_load %arg7[%get3A_285, %get3A_286] {strides = array<i32>} : memref<13x128xf32, #tpu.memory_space<vmem>>, vector<1x16xf32>,
    %get3A_288 = vector.shape_cast %get3A_287 : vector<1x16xf32> to vector<16xf32>
    %get3A_289 = arith.constant 11 : i32
    %get3A_290 = arith.index_cast %get3A_289 : i32 to index
    %get3A_291 = arith.constant 32 : index
    %get3A_292 = tpu.vector_load %arg7[%get3A_290, %get3A_291] {strides = array<i32>} : memref<13x128xf32, #tpu.memory_space<vmem>>, vector<1x16xf32>,
    %get3A_293 = vector.shape_cast %get3A_292 : vector<1x16xf32> to vector<16xf32>
    %broadcast_in_dim3A_294 = arith.constant -1.000000e+00 : f32
    %broadcast_in_dim3A_295 = vector.broadcast %broadcast_in_dim3A_294 : f32 to vector<16xf32>
    %scan3A_296 = arith.constant 0 : i32
    %scan3A_297 = arith.constant 256 : i32
    %scan3A_298 = arith.addi %scan3A_296, %scan3A_297 : i32
    %scan3A_299 = arith.constant 1 : i32
    %scan3A_300 = scf.for %scan3A_891 = %scan3A_296 to %scan3A_298 step %scan3A_299 iter_args(%scan3A_892 = %broadcast_in_dim3A_295) -> (vector<16xf32>)  : i32 {
      %get3A_893 = arith.index_cast %scan3A_891 : i32 to index
      %get3A_894 = arith.constant 0 : index
      %get3A_895 = tpu.vector_load %arg6[%get3A_893, %get3A_894] {strides = array<i32>} : memref<256x16xf32, #tpu.memory_space<vmem>>, vector<1x16xf32>,
      %get3A_896 = vector.shape_cast %get3A_895 : vector<1x16xf32> to vector<16xf32>
      %broadcast_in_dim3A_897 = vector.shape_cast %convert_element_type3A_224 : vector<16xi32> to vector<16x1xi32>
      %gather3A_898 = vector.shape_cast %broadcast_in_dim3A_897 : vector<16x1xi32> to vector<16xi32>
      %gather3A_899 = tpu.dynamic_gather %get3A_896[%gather3A_898] in [0] : vector<16xf32>, vector<16xi32> -> vector<16xf32>
      %broadcast_in_dim3A_900 = vector.shape_cast %convert_element_type3A_230 : vector<16xi32> to vector<16x1xi32>
      %gather3A_901 = vector.shape_cast %broadcast_in_dim3A_900 : vector<16x1xi32> to vector<16xi32>
      %gather3A_902 = tpu.dynamic_gather %get3A_896[%gather3A_901] in [0] : vector<16xf32>, vector<16xi32> -> vector<16xf32>
      %get3A_903 = arith.index_cast %scan3A_891 : i32 to index
      %get3A_904 = arith.constant 32 : index
      %get3A_905 = tpu.vector_load %arg8[%get3A_903, %get3A_904] {strides = array<i32>} : memref<256x128xf32, #tpu.memory_space<vmem>>, vector<1x16xf32>,
      %get3A_906 = vector.shape_cast %get3A_905 : vector<1x16xf32> to vector<16xf32>
      %sub3A = arith.subf %gather3A_899, %add3A_244 : vector<16xf32>
      %sub3A_907 = arith.subf %gather3A_902, %add3A_253 : vector<16xf32>
      %abs3A = math.absf %sub3A : vector<16xf32>
      %abs3A_908 = math.absf %sub3A_907 : vector<16xf32>
      %sub3A_909 = arith.subf %abs3A, %get3A_258 : vector<16xf32>
      %sub3A_910 = arith.subf %get3A_263, %abs3A : vector<16xf32>
      %min3A_911 = arith.minimumf %sub3A_909, %sub3A_910 : vector<16xf32>
      %sub3A_912 = arith.subf %abs3A_908, %get3A_268 : vector<16xf32>
      %sub3A_913 = arith.subf %get3A_273, %abs3A_908 : vector<16xf32>
      %min3A_914 = arith.minimumf %sub3A_912, %sub3A_913 : vector<16xf32>
      %mul3A_915 = arith.mulf %sub3A, %get3A_278 : vector<16xf32>
      %mul3A_916 = arith.mulf %sub3A_907, %get3A_283 : vector<16xf32>
      %add3A_917 = arith.addf %mul3A_915, %mul3A_916 : vector<16xf32>
      %mul3A_918 = arith.mulf %sub3A_907, %get3A_278 : vector<16xf32>
      %mul3A_919 = arith.mulf %sub3A, %get3A_283 : vector<16xf32>
      %sub3A_920 = arith.subf %mul3A_918, %mul3A_919 : vector<16xf32>
      %mul3A_921 = arith.constant 0.414213568 : f32
      %mul3A_922 = vector.broadcast %mul3A_921 : f32 to vector<16xf32>
      %mul3A_923 = arith.mulf %mul3A_922, %add3A_917 : vector<16xf32>
      %abs3A_924 = math.absf %sub3A_920 : vector<16xf32>
      %sub3A_925 = arith.subf %mul3A_923, %abs3A_924 : vector<16xf32>
      %mul3A_926 = arith.mulf %get3A_293, %sub3A_920 : vector<16xf32>
      %add3A_927 = arith.addf %get3A_288, %mul3A_926 : vector<16xf32>
      %min3A_928 = arith.minimumf %min3A_911, %min3A_914 : vector<16xf32>
      %min3A_929 = arith.minimumf %sub3A_925, %add3A_927 : vector<16xf32>
      %min3A_930 = arith.minimumf %min3A_929, %get3A_906 : vector<16xf32>
      %min3A_931 = arith.minimumf %min3A_928, %min3A_930 : vector<16xf32>
      %max3A = arith.maximumf %scan3A_892, %min3A_931 : vector<16xf32>
      scf.yield %max3A : vector<16xf32>
    }
    %scan3A_301 = arith.constant 256 : i32
    %sign3A_302 = tpu.bitcast %scan3A_300 : vector<16xf32> -> vector<16xi32>
    %sign3A_303 = arith.constant -2147483648 : i32
    %sign3A_304 = vector.broadcast %sign3A_303 : i32 to vector<16xi32>
    %sign3A_305 = arith.andi %sign3A_302, %sign3A_304 : vector<16xi32>
    %sign3A_306 = arith.constant 1065353216 : i32
    %sign3A_307 = vector.broadcast %sign3A_306 : i32 to vector<16xi32>
    %sign3A_308 = arith.ori %sign3A_307, %sign3A_305 : vector<16xi32>
    %sign3A_309 = tpu.bitcast %sign3A_308 : vector<16xi32> -> vector<16xf32>
    %sign3A_310 = math.absf %scan3A_300 : vector<16xf32>
    %sign3A_311 = arith.constant 0.000000e+00 : f32
    %sign3A_312 = vector.broadcast %sign3A_311 : f32 to vector<16xf32>
    %sign3A_313 = arith.cmpf ogt, %sign3A_310, %sign3A_312 : vector<16xf32>
    %sign3A_314 = arith.select %sign3A_313, %sign3A_309, %scan3A_300 : vector<16xi1>, vector<16xf32>
    %add3A_315 = arith.constant 1.000000e+00 : f32
    %add3A_316 = vector.broadcast %add3A_315 : f32 to vector<16xf32>
    %add3A_317 = arith.addf %sign3A_314, %add3A_316 : vector<16xf32>
    %min3A_318 = arith.constant 1.000000e+00 : f32
    %min3A_319 = vector.broadcast %min3A_318 : f32 to vector<16xf32>
    %min3A_320 = arith.minimumf %add3A_317, %min3A_319 : vector<16xf32>
    %get3A_321 = arith.constant 12 : i32
    %get3A_322 = arith.index_cast %get3A_321 : i32 to index
    %get3A_323 = arith.constant 32 : index
    %get3A_324 = tpu.vector_load %arg7[%get3A_322, %get3A_323] {strides = array<i32>} : memref<13x128xf32, #tpu.memory_space<vmem>>, vector<1x16xf32>,
    %get3A_325 = vector.shape_cast %get3A_324 : vector<1x16xf32> to vector<16xf32>
    %mul3A_326 = arith.mulf %min3A_320, %get3A_325 : vector<16xf32>
    %swap3A_327 = arith.constant 32 : index
    %swap3A_328 = tpu.vector_load %arg9[%swap3A_327] {strides = array<i32>} : memref<128xf32, #tpu.memory_space<vmem>>, vector<16xf32>,
    %swap3A_329 = vector.shape_cast %swap3A_328 : vector<16xf32> to vector<16xf32>
    %swap3A_330 = vector.shape_cast %mul3A_326 : vector<16xf32> to vector<16xf32>
    tpu.vector_store %arg9[%swap3A_327], %swap3A_330 {strides = array<i32>} : memref<128xf32, #tpu.memory_space<vmem>>, vector<16xf32>,
    %get3A_331 = arith.constant 0 : i32
    %get3A_332 = arith.index_cast %get3A_331 : i32 to index
    %get3A_333 = arith.constant 48 : index
    %get3A_334 = tpu.vector_load %arg7[%get3A_332, %get3A_333] {strides = array<i32>} : memref<13x128xf32, #tpu.memory_space<vmem>>, vector<1x16xf32>,
    %get3A_335 = vector.shape_cast %get3A_334 : vector<1x16xf32> to vector<16xf32>
    %convert_element_type3A_336 = arith.fptosi %get3A_335 : vector<16xf32> to vector<16xi32>
    %get3A_337 = arith.constant 1 : i32
    %get3A_338 = arith.index_cast %get3A_337 : i32 to index
    %get3A_339 = arith.constant 48 : index
    %get3A_340 = tpu.vector_load %arg7[%get3A_338, %get3A_339] {strides = array<i32>} : memref<13x128xf32, #tpu.memory_space<vmem>>, vector<1x16xf32>,
    %get3A_341 = vector.shape_cast %get3A_340 : vector<1x16xf32> to vector<16xf32>
    %convert_element_type3A_342 = arith.fptosi %get3A_341 : vector<16xf32> to vector<16xi32>
    %get3A_343 = arith.constant 0 : i32
    %get3A_344 = arith.index_cast %get3A_343 : i32 to index
    %get3A_345 = arith.constant 0 : index
    %get3A_346 = tpu.vector_load %arg6[%get3A_344, %get3A_345] {strides = array<i32>} : memref<256x16xf32, #tpu.memory_space<vmem>>, vector<1x16xf32>,
    %get3A_347 = vector.shape_cast %get3A_346 : vector<1x16xf32> to vector<16xf32>
    %broadcast_in_dim3A_348 = vector.shape_cast %convert_element_type3A_336 : vector<16xi32> to vector<16x1xi32>
    %gather3A_349 = vector.shape_cast %broadcast_in_dim3A_348 : vector<16x1xi32> to vector<16xi32>
    %gather3A_350 = tpu.dynamic_gather %get3A_347[%gather3A_349] in [0] : vector<16xf32>, vector<16xi32> -> vector<16xf32>
    %get3A_351 = arith.constant 2 : i32
    %get3A_352 = arith.index_cast %get3A_351 : i32 to index
    %get3A_353 = arith.constant 48 : index
    %get3A_354 = tpu.vector_load %arg7[%get3A_352, %get3A_353] {strides = array<i32>} : memref<13x128xf32, #tpu.memory_space<vmem>>, vector<1x16xf32>,
    %get3A_355 = vector.shape_cast %get3A_354 : vector<1x16xf32> to vector<16xf32>
    %add3A_356 = arith.addf %gather3A_350, %get3A_355 : vector<16xf32>
    %broadcast_in_dim3A_357 = vector.shape_cast %convert_element_type3A_342 : vector<16xi32> to vector<16x1xi32>
    %gather3A_358 = vector.shape_cast %broadcast_in_dim3A_357 : vector<16x1xi32> to vector<16xi32>
    %gather3A_359 = tpu.dynamic_gather %get3A_347[%gather3A_358] in [0] : vector<16xf32>, vector<16xi32> -> vector<16xf32>
    %get3A_360 = arith.constant 3 : i32
    %get3A_361 = arith.index_cast %get3A_360 : i32 to index
    %get3A_362 = arith.constant 48 : index
    %get3A_363 = tpu.vector_load %arg7[%get3A_361, %get3A_362] {strides = array<i32>} : memref<13x128xf32, #tpu.memory_space<vmem>>, vector<1x16xf32>,
    %get3A_364 = vector.shape_cast %get3A_363 : vector<1x16xf32> to vector<16xf32>
    %add3A_365 = arith.addf %gather3A_359, %get3A_364 : vector<16xf32>
    %get3A_366 = arith.constant 4 : i32
    %get3A_367 = arith.index_cast %get3A_366 : i32 to index
    %get3A_368 = arith.constant 48 : index
    %get3A_369 = tpu.vector_load %arg7[%get3A_367, %get3A_368] {strides = array<i32>} : memref<13x128xf32, #tpu.memory_space<vmem>>, vector<1x16xf32>,
    %get3A_370 = vector.shape_cast %get3A_369 : vector<1x16xf32> to vector<16xf32>
    %get3A_371 = arith.constant 5 : i32
    %get3A_372 = arith.index_cast %get3A_371 : i32 to index
    %get3A_373 = arith.constant 48 : index
    %get3A_374 = tpu.vector_load %arg7[%get3A_372, %get3A_373] {strides = array<i32>} : memref<13x128xf32, #tpu.memory_space<vmem>>, vector<1x16xf32>,
    %get3A_375 = vector.shape_cast %get3A_374 : vector<1x16xf32> to vector<16xf32>
    %get3A_376 = arith.constant 6 : i32
    %get3A_377 = arith.index_cast %get3A_376 : i32 to index
    %get3A_378 = arith.constant 48 : index
    %get3A_379 = tpu.vector_load %arg7[%get3A_377, %get3A_378] {strides = array<i32>} : memref<13x128xf32, #tpu.memory_space<vmem>>, vector<1x16xf32>,
    %get3A_380 = vector.shape_cast %get3A_379 : vector<1x16xf32> to vector<16xf32>
    %get3A_381 = arith.constant 7 : i32
    %get3A_382 = arith.index_cast %get3A_381 : i32 to index
    %get3A_383 = arith.constant 48 : index
    %get3A_384 = tpu.vector_load %arg7[%get3A_382, %get3A_383] {strides = array<i32>} : memref<13x128xf32, #tpu.memory_space<vmem>>, vector<1x16xf32>,
    %get3A_385 = vector.shape_cast %get3A_384 : vector<1x16xf32> to vector<16xf32>
    %get3A_386 = arith.constant 8 : i32
    %get3A_387 = arith.index_cast %get3A_386 : i32 to index
    %get3A_388 = arith.constant 48 : index
    %get3A_389 = tpu.vector_load %arg7[%get3A_387, %get3A_388] {strides = array<i32>} : memref<13x128xf32, #tpu.memory_space<vmem>>, vector<1x16xf32>,
    %get3A_390 = vector.shape_cast %get3A_389 : vector<1x16xf32> to vector<16xf32>
    %get3A_391 = arith.constant 9 : i32
    %get3A_392 = arith.index_cast %get3A_391 : i32 to index
    %get3A_393 = arith.constant 48 : index
    %get3A_394 = tpu.vector_load %arg7[%get3A_392, %get3A_393] {strides = array<i32>} : memref<13x128xf32, #tpu.memory_space<vmem>>, vector<1x16xf32>,
    %get3A_395 = vector.shape_cast %get3A_394 : vector<1x16xf32> to vector<16xf32>
    %get3A_396 = arith.constant 10 : i32
    %get3A_397 = arith.index_cast %get3A_396 : i32 to index
    %get3A_398 = arith.constant 48 : index
    %get3A_399 = tpu.vector_load %arg7[%get3A_397, %get3A_398] {strides = array<i32>} : memref<13x128xf32, #tpu.memory_space<vmem>>, vector<1x16xf32>,
    %get3A_400 = vector.shape_cast %get3A_399 : vector<1x16xf32> to vector<16xf32>
    %get3A_401 = arith.constant 11 : i32
    %get3A_402 = arith.index_cast %get3A_401 : i32 to index
    %get3A_403 = arith.constant 48 : index
    %get3A_404 = tpu.vector_load %arg7[%get3A_402, %get3A_403] {strides = array<i32>} : memref<13x128xf32, #tpu.memory_space<vmem>>, vector<1x16xf32>,
    %get3A_405 = vector.shape_cast %get3A_404 : vector<1x16xf32> to vector<16xf32>
    %broadcast_in_dim3A_406 = arith.constant -1.000000e+00 : f32
    %broadcast_in_dim3A_407 = vector.broadcast %broadcast_in_dim3A_406 : f32 to vector<16xf32>
    %scan3A_408 = arith.constant 0 : i32
    %scan3A_409 = arith.constant 256 : i32
    %scan3A_410 = arith.addi %scan3A_408, %scan3A_409 : i32
    %scan3A_411 = arith.constant 1 : i32
    %scan3A_412 = scf.for %scan3A_891 = %scan3A_408 to %scan3A_410 step %scan3A_411 iter_args(%scan3A_892 = %broadcast_in_dim3A_407) -> (vector<16xf32>)  : i32 {
      %get3A_893 = arith.index_cast %scan3A_891 : i32 to index
      %get3A_894 = arith.constant 0 : index
      %get3A_895 = tpu.vector_load %arg6[%get3A_893, %get3A_894] {strides = array<i32>} : memref<256x16xf32, #tpu.memory_space<vmem>>, vector<1x16xf32>,
      %get3A_896 = vector.shape_cast %get3A_895 : vector<1x16xf32> to vector<16xf32>
      %broadcast_in_dim3A_897 = vector.shape_cast %convert_element_type3A_336 : vector<16xi32> to vector<16x1xi32>
      %gather3A_898 = vector.shape_cast %broadcast_in_dim3A_897 : vector<16x1xi32> to vector<16xi32>
      %gather3A_899 = tpu.dynamic_gather %get3A_896[%gather3A_898] in [0] : vector<16xf32>, vector<16xi32> -> vector<16xf32>
      %broadcast_in_dim3A_900 = vector.shape_cast %convert_element_type3A_342 : vector<16xi32> to vector<16x1xi32>
      %gather3A_901 = vector.shape_cast %broadcast_in_dim3A_900 : vector<16x1xi32> to vector<16xi32>
      %gather3A_902 = tpu.dynamic_gather %get3A_896[%gather3A_901] in [0] : vector<16xf32>, vector<16xi32> -> vector<16xf32>
      %get3A_903 = arith.index_cast %scan3A_891 : i32 to index
      %get3A_904 = arith.constant 48 : index
      %get3A_905 = tpu.vector_load %arg8[%get3A_903, %get3A_904] {strides = array<i32>} : memref<256x128xf32, #tpu.memory_space<vmem>>, vector<1x16xf32>,
      %get3A_906 = vector.shape_cast %get3A_905 : vector<1x16xf32> to vector<16xf32>
      %sub3A = arith.subf %gather3A_899, %add3A_356 : vector<16xf32>
      %sub3A_907 = arith.subf %gather3A_902, %add3A_365 : vector<16xf32>
      %abs3A = math.absf %sub3A : vector<16xf32>
      %abs3A_908 = math.absf %sub3A_907 : vector<16xf32>
      %sub3A_909 = arith.subf %abs3A, %get3A_370 : vector<16xf32>
      %sub3A_910 = arith.subf %get3A_375, %abs3A : vector<16xf32>
      %min3A_911 = arith.minimumf %sub3A_909, %sub3A_910 : vector<16xf32>
      %sub3A_912 = arith.subf %abs3A_908, %get3A_380 : vector<16xf32>
      %sub3A_913 = arith.subf %get3A_385, %abs3A_908 : vector<16xf32>
      %min3A_914 = arith.minimumf %sub3A_912, %sub3A_913 : vector<16xf32>
      %mul3A_915 = arith.mulf %sub3A, %get3A_390 : vector<16xf32>
      %mul3A_916 = arith.mulf %sub3A_907, %get3A_395 : vector<16xf32>
      %add3A_917 = arith.addf %mul3A_915, %mul3A_916 : vector<16xf32>
      %mul3A_918 = arith.mulf %sub3A_907, %get3A_390 : vector<16xf32>
      %mul3A_919 = arith.mulf %sub3A, %get3A_395 : vector<16xf32>
      %sub3A_920 = arith.subf %mul3A_918, %mul3A_919 : vector<16xf32>
      %mul3A_921 = arith.constant 0.414213568 : f32
      %mul3A_922 = vector.broadcast %mul3A_921 : f32 to vector<16xf32>
      %mul3A_923 = arith.mulf %mul3A_922, %add3A_917 : vector<16xf32>
      %abs3A_924 = math.absf %sub3A_920 : vector<16xf32>
      %sub3A_925 = arith.subf %mul3A_923, %abs3A_924 : vector<16xf32>
      %mul3A_926 = arith.mulf %get3A_405, %sub3A_920 : vector<16xf32>
      %add3A_927 = arith.addf %get3A_400, %mul3A_926 : vector<16xf32>
      %min3A_928 = arith.minimumf %min3A_911, %min3A_914 : vector<16xf32>
      %min3A_929 = arith.minimumf %sub3A_925, %add3A_927 : vector<16xf32>
      %min3A_930 = arith.minimumf %min3A_929, %get3A_906 : vector<16xf32>
      %min3A_931 = arith.minimumf %min3A_928, %min3A_930 : vector<16xf32>
      %max3A = arith.maximumf %scan3A_892, %min3A_931 : vector<16xf32>
      scf.yield %max3A : vector<16xf32>
    }
    %scan3A_413 = arith.constant 256 : i32
    %sign3A_414 = tpu.bitcast %scan3A_412 : vector<16xf32> -> vector<16xi32>
    %sign3A_415 = arith.constant -2147483648 : i32
    %sign3A_416 = vector.broadcast %sign3A_415 : i32 to vector<16xi32>
    %sign3A_417 = arith.andi %sign3A_414, %sign3A_416 : vector<16xi32>
    %sign3A_418 = arith.constant 1065353216 : i32
    %sign3A_419 = vector.broadcast %sign3A_418 : i32 to vector<16xi32>
    %sign3A_420 = arith.ori %sign3A_419, %sign3A_417 : vector<16xi32>
    %sign3A_421 = tpu.bitcast %sign3A_420 : vector<16xi32> -> vector<16xf32>
    %sign3A_422 = math.absf %scan3A_412 : vector<16xf32>
    %sign3A_423 = arith.constant 0.000000e+00 : f32
    %sign3A_424 = vector.broadcast %sign3A_423 : f32 to vector<16xf32>
    %sign3A_425 = arith.cmpf ogt, %sign3A_422, %sign3A_424 : vector<16xf32>
    %sign3A_426 = arith.select %sign3A_425, %sign3A_421, %scan3A_412 : vector<16xi1>, vector<16xf32>
    %add3A_427 = arith.constant 1.000000e+00 : f32
    %add3A_428 = vector.broadcast %add3A_427 : f32 to vector<16xf32>
    %add3A_429 = arith.addf %sign3A_426, %add3A_428 : vector<16xf32>
    %min3A_430 = arith.constant 1.000000e+00 : f32
    %min3A_431 = vector.broadcast %min3A_430 : f32 to vector<16xf32>
    %min3A_432 = arith.minimumf %add3A_429, %min3A_431 : vector<16xf32>
    %get3A_433 = arith.constant 12 : i32
    %get3A_434 = arith.index_cast %get3A_433 : i32 to index
    %get3A_435 = arith.constant 48 : index
    %get3A_436 = tpu.vector_load %arg7[%get3A_434, %get3A_435] {strides = array<i32>} : memref<13x128xf32, #tpu.memory_space<vmem>>, vector<1x16xf32>,
    %get3A_437 = vector.shape_cast %get3A_436 : vector<1x16xf32> to vector<16xf32>
    %mul3A_438 = arith.mulf %min3A_432, %get3A_437 : vector<16xf32>
    %swap3A_439 = arith.constant 48 : index
    %swap3A_440 = tpu.vector_load %arg9[%swap3A_439] {strides = array<i32>} : memref<128xf32, #tpu.memory_space<vmem>>, vector<16xf32>,
    %swap3A_441 = vector.shape_cast %swap3A_440 : vector<16xf32> to vector<16xf32>
    %swap3A_442 = vector.shape_cast %mul3A_438 : vector<16xf32> to vector<16xf32>
    tpu.vector_store %arg9[%swap3A_439], %swap3A_442 {strides = array<i32>} : memref<128xf32, #tpu.memory_space<vmem>>, vector<16xf32>,
    %get3A_443 = arith.constant 0 : i32
    %get3A_444 = arith.index_cast %get3A_443 : i32 to index
    %get3A_445 = arith.constant 64 : index
    %get3A_446 = tpu.vector_load %arg7[%get3A_444, %get3A_445] {strides = array<i32>} : memref<13x128xf32, #tpu.memory_space<vmem>>, vector<1x16xf32>,
    %get3A_447 = vector.shape_cast %get3A_446 : vector<1x16xf32> to vector<16xf32>
    %convert_element_type3A_448 = arith.fptosi %get3A_447 : vector<16xf32> to vector<16xi32>
    %get3A_449 = arith.constant 1 : i32
    %get3A_450 = arith.index_cast %get3A_449 : i32 to index
    %get3A_451 = arith.constant 64 : index
    %get3A_452 = tpu.vector_load %arg7[%get3A_450, %get3A_451] {strides = array<i32>} : memref<13x128xf32, #tpu.memory_space<vmem>>, vector<1x16xf32>,
    %get3A_453 = vector.shape_cast %get3A_452 : vector<1x16xf32> to vector<16xf32>
    %convert_element_type3A_454 = arith.fptosi %get3A_453 : vector<16xf32> to vector<16xi32>
    %get3A_455 = arith.constant 0 : i32
    %get3A_456 = arith.index_cast %get3A_455 : i32 to index
    %get3A_457 = arith.constant 0 : index
    %get3A_458 = tpu.vector_load %arg6[%get3A_456, %get3A_457] {strides = array<i32>} : memref<256x16xf32, #tpu.memory_space<vmem>>, vector<1x16xf32>,
    %get3A_459 = vector.shape_cast %get3A_458 : vector<1x16xf32> to vector<16xf32>
    %broadcast_in_dim3A_460 = vector.shape_cast %convert_element_type3A_448 : vector<16xi32> to vector<16x1xi32>
    %gather3A_461 = vector.shape_cast %broadcast_in_dim3A_460 : vector<16x1xi32> to vector<16xi32>
    %gather3A_462 = tpu.dynamic_gather %get3A_459[%gather3A_461] in [0] : vector<16xf32>, vector<16xi32> -> vector<16xf32>
    %get3A_463 = arith.constant 2 : i32
    %get3A_464 = arith.index_cast %get3A_463 : i32 to index
    %get3A_465 = arith.constant 64 : index
    %get3A_466 = tpu.vector_load %arg7[%get3A_464, %get3A_465] {strides = array<i32>} : memref<13x128xf32, #tpu.memory_space<vmem>>, vector<1x16xf32>,
    %get3A_467 = vector.shape_cast %get3A_466 : vector<1x16xf32> to vector<16xf32>
    %add3A_468 = arith.addf %gather3A_462, %get3A_467 : vector<16xf32>
    %broadcast_in_dim3A_469 = vector.shape_cast %convert_element_type3A_454 : vector<16xi32> to vector<16x1xi32>
    %gather3A_470 = vector.shape_cast %broadcast_in_dim3A_469 : vector<16x1xi32> to vector<16xi32>
    %gather3A_471 = tpu.dynamic_gather %get3A_459[%gather3A_470] in [0] : vector<16xf32>, vector<16xi32> -> vector<16xf32>
    %get3A_472 = arith.constant 3 : i32
    %get3A_473 = arith.index_cast %get3A_472 : i32 to index
    %get3A_474 = arith.constant 64 : index
    %get3A_475 = tpu.vector_load %arg7[%get3A_473, %get3A_474] {strides = array<i32>} : memref<13x128xf32, #tpu.memory_space<vmem>>, vector<1x16xf32>,
    %get3A_476 = vector.shape_cast %get3A_475 : vector<1x16xf32> to vector<16xf32>
    %add3A_477 = arith.addf %gather3A_471, %get3A_476 : vector<16xf32>
    %get3A_478 = arith.constant 4 : i32
    %get3A_479 = arith.index_cast %get3A_478 : i32 to index
    %get3A_480 = arith.constant 64 : index
    %get3A_481 = tpu.vector_load %arg7[%get3A_479, %get3A_480] {strides = array<i32>} : memref<13x128xf32, #tpu.memory_space<vmem>>, vector<1x16xf32>,
    %get3A_482 = vector.shape_cast %get3A_481 : vector<1x16xf32> to vector<16xf32>
    %get3A_483 = arith.constant 5 : i32
    %get3A_484 = arith.index_cast %get3A_483 : i32 to index
    %get3A_485 = arith.constant 64 : index
    %get3A_486 = tpu.vector_load %arg7[%get3A_484, %get3A_485] {strides = array<i32>} : memref<13x128xf32, #tpu.memory_space<vmem>>, vector<1x16xf32>,
    %get3A_487 = vector.shape_cast %get3A_486 : vector<1x16xf32> to vector<16xf32>
    %get3A_488 = arith.constant 6 : i32
    %get3A_489 = arith.index_cast %get3A_488 : i32 to index
    %get3A_490 = arith.constant 64 : index
    %get3A_491 = tpu.vector_load %arg7[%get3A_489, %get3A_490] {strides = array<i32>} : memref<13x128xf32, #tpu.memory_space<vmem>>, vector<1x16xf32>,
    %get3A_492 = vector.shape_cast %get3A_491 : vector<1x16xf32> to vector<16xf32>
    %get3A_493 = arith.constant 7 : i32
    %get3A_494 = arith.index_cast %get3A_493 : i32 to index
    %get3A_495 = arith.constant 64 : index
    %get3A_496 = tpu.vector_load %arg7[%get3A_494, %get3A_495] {strides = array<i32>} : memref<13x128xf32, #tpu.memory_space<vmem>>, vector<1x16xf32>,
    %get3A_497 = vector.shape_cast %get3A_496 : vector<1x16xf32> to vector<16xf32>
    %get3A_498 = arith.constant 8 : i32
    %get3A_499 = arith.index_cast %get3A_498 : i32 to index
    %get3A_500 = arith.constant 64 : index
    %get3A_501 = tpu.vector_load %arg7[%get3A_499, %get3A_500] {strides = array<i32>} : memref<13x128xf32, #tpu.memory_space<vmem>>, vector<1x16xf32>,
    %get3A_502 = vector.shape_cast %get3A_501 : vector<1x16xf32> to vector<16xf32>
    %get3A_503 = arith.constant 9 : i32
    %get3A_504 = arith.index_cast %get3A_503 : i32 to index
    %get3A_505 = arith.constant 64 : index
    %get3A_506 = tpu.vector_load %arg7[%get3A_504, %get3A_505] {strides = array<i32>} : memref<13x128xf32, #tpu.memory_space<vmem>>, vector<1x16xf32>,
    %get3A_507 = vector.shape_cast %get3A_506 : vector<1x16xf32> to vector<16xf32>
    %get3A_508 = arith.constant 10 : i32
    %get3A_509 = arith.index_cast %get3A_508 : i32 to index
    %get3A_510 = arith.constant 64 : index
    %get3A_511 = tpu.vector_load %arg7[%get3A_509, %get3A_510] {strides = array<i32>} : memref<13x128xf32, #tpu.memory_space<vmem>>, vector<1x16xf32>,
    %get3A_512 = vector.shape_cast %get3A_511 : vector<1x16xf32> to vector<16xf32>
    %get3A_513 = arith.constant 11 : i32
    %get3A_514 = arith.index_cast %get3A_513 : i32 to index
    %get3A_515 = arith.constant 64 : index
    %get3A_516 = tpu.vector_load %arg7[%get3A_514, %get3A_515] {strides = array<i32>} : memref<13x128xf32, #tpu.memory_space<vmem>>, vector<1x16xf32>,
    %get3A_517 = vector.shape_cast %get3A_516 : vector<1x16xf32> to vector<16xf32>
    %broadcast_in_dim3A_518 = arith.constant -1.000000e+00 : f32
    %broadcast_in_dim3A_519 = vector.broadcast %broadcast_in_dim3A_518 : f32 to vector<16xf32>
    %scan3A_520 = arith.constant 0 : i32
    %scan3A_521 = arith.constant 256 : i32
    %scan3A_522 = arith.addi %scan3A_520, %scan3A_521 : i32
    %scan3A_523 = arith.constant 1 : i32
    %scan3A_524 = scf.for %scan3A_891 = %scan3A_520 to %scan3A_522 step %scan3A_523 iter_args(%scan3A_892 = %broadcast_in_dim3A_519) -> (vector<16xf32>)  : i32 {
      %get3A_893 = arith.index_cast %scan3A_891 : i32 to index
      %get3A_894 = arith.constant 0 : index
      %get3A_895 = tpu.vector_load %arg6[%get3A_893, %get3A_894] {strides = array<i32>} : memref<256x16xf32, #tpu.memory_space<vmem>>, vector<1x16xf32>,
      %get3A_896 = vector.shape_cast %get3A_895 : vector<1x16xf32> to vector<16xf32>
      %broadcast_in_dim3A_897 = vector.shape_cast %convert_element_type3A_448 : vector<16xi32> to vector<16x1xi32>
      %gather3A_898 = vector.shape_cast %broadcast_in_dim3A_897 : vector<16x1xi32> to vector<16xi32>
      %gather3A_899 = tpu.dynamic_gather %get3A_896[%gather3A_898] in [0] : vector<16xf32>, vector<16xi32> -> vector<16xf32>
      %broadcast_in_dim3A_900 = vector.shape_cast %convert_element_type3A_454 : vector<16xi32> to vector<16x1xi32>
      %gather3A_901 = vector.shape_cast %broadcast_in_dim3A_900 : vector<16x1xi32> to vector<16xi32>
      %gather3A_902 = tpu.dynamic_gather %get3A_896[%gather3A_901] in [0] : vector<16xf32>, vector<16xi32> -> vector<16xf32>
      %get3A_903 = arith.index_cast %scan3A_891 : i32 to index
      %get3A_904 = arith.constant 64 : index
      %get3A_905 = tpu.vector_load %arg8[%get3A_903, %get3A_904] {strides = array<i32>} : memref<256x128xf32, #tpu.memory_space<vmem>>, vector<1x16xf32>,
      %get3A_906 = vector.shape_cast %get3A_905 : vector<1x16xf32> to vector<16xf32>
      %sub3A = arith.subf %gather3A_899, %add3A_468 : vector<16xf32>
      %sub3A_907 = arith.subf %gather3A_902, %add3A_477 : vector<16xf32>
      %abs3A = math.absf %sub3A : vector<16xf32>
      %abs3A_908 = math.absf %sub3A_907 : vector<16xf32>
      %sub3A_909 = arith.subf %abs3A, %get3A_482 : vector<16xf32>
      %sub3A_910 = arith.subf %get3A_487, %abs3A : vector<16xf32>
      %min3A_911 = arith.minimumf %sub3A_909, %sub3A_910 : vector<16xf32>
      %sub3A_912 = arith.subf %abs3A_908, %get3A_492 : vector<16xf32>
      %sub3A_913 = arith.subf %get3A_497, %abs3A_908 : vector<16xf32>
      %min3A_914 = arith.minimumf %sub3A_912, %sub3A_913 : vector<16xf32>
      %mul3A_915 = arith.mulf %sub3A, %get3A_502 : vector<16xf32>
      %mul3A_916 = arith.mulf %sub3A_907, %get3A_507 : vector<16xf32>
      %add3A_917 = arith.addf %mul3A_915, %mul3A_916 : vector<16xf32>
      %mul3A_918 = arith.mulf %sub3A_907, %get3A_502 : vector<16xf32>
      %mul3A_919 = arith.mulf %sub3A, %get3A_507 : vector<16xf32>
      %sub3A_920 = arith.subf %mul3A_918, %mul3A_919 : vector<16xf32>
      %mul3A_921 = arith.constant 0.414213568 : f32
      %mul3A_922 = vector.broadcast %mul3A_921 : f32 to vector<16xf32>
      %mul3A_923 = arith.mulf %mul3A_922, %add3A_917 : vector<16xf32>
      %abs3A_924 = math.absf %sub3A_920 : vector<16xf32>
      %sub3A_925 = arith.subf %mul3A_923, %abs3A_924 : vector<16xf32>
      %mul3A_926 = arith.mulf %get3A_517, %sub3A_920 : vector<16xf32>
      %add3A_927 = arith.addf %get3A_512, %mul3A_926 : vector<16xf32>
      %min3A_928 = arith.minimumf %min3A_911, %min3A_914 : vector<16xf32>
      %min3A_929 = arith.minimumf %sub3A_925, %add3A_927 : vector<16xf32>
      %min3A_930 = arith.minimumf %min3A_929, %get3A_906 : vector<16xf32>
      %min3A_931 = arith.minimumf %min3A_928, %min3A_930 : vector<16xf32>
      %max3A = arith.maximumf %scan3A_892, %min3A_931 : vector<16xf32>
      scf.yield %max3A : vector<16xf32>
    }
    %scan3A_525 = arith.constant 256 : i32
    %sign3A_526 = tpu.bitcast %scan3A_524 : vector<16xf32> -> vector<16xi32>
    %sign3A_527 = arith.constant -2147483648 : i32
    %sign3A_528 = vector.broadcast %sign3A_527 : i32 to vector<16xi32>
    %sign3A_529 = arith.andi %sign3A_526, %sign3A_528 : vector<16xi32>
    %sign3A_530 = arith.constant 1065353216 : i32
    %sign3A_531 = vector.broadcast %sign3A_530 : i32 to vector<16xi32>
    %sign3A_532 = arith.ori %sign3A_531, %sign3A_529 : vector<16xi32>
    %sign3A_533 = tpu.bitcast %sign3A_532 : vector<16xi32> -> vector<16xf32>
    %sign3A_534 = math.absf %scan3A_524 : vector<16xf32>
    %sign3A_535 = arith.constant 0.000000e+00 : f32
    %sign3A_536 = vector.broadcast %sign3A_535 : f32 to vector<16xf32>
    %sign3A_537 = arith.cmpf ogt, %sign3A_534, %sign3A_536 : vector<16xf32>
    %sign3A_538 = arith.select %sign3A_537, %sign3A_533, %scan3A_524 : vector<16xi1>, vector<16xf32>
    %add3A_539 = arith.constant 1.000000e+00 : f32
    %add3A_540 = vector.broadcast %add3A_539 : f32 to vector<16xf32>
    %add3A_541 = arith.addf %sign3A_538, %add3A_540 : vector<16xf32>
    %min3A_542 = arith.constant 1.000000e+00 : f32
    %min3A_543 = vector.broadcast %min3A_542 : f32 to vector<16xf32>
    %min3A_544 = arith.minimumf %add3A_541, %min3A_543 : vector<16xf32>
    %get3A_545 = arith.constant 12 : i32
    %get3A_546 = arith.index_cast %get3A_545 : i32 to index
    %get3A_547 = arith.constant 64 : index
    %get3A_548 = tpu.vector_load %arg7[%get3A_546, %get3A_547] {strides = array<i32>} : memref<13x128xf32, #tpu.memory_space<vmem>>, vector<1x16xf32>,
    %get3A_549 = vector.shape_cast %get3A_548 : vector<1x16xf32> to vector<16xf32>
    %mul3A_550 = arith.mulf %min3A_544, %get3A_549 : vector<16xf32>
    %swap3A_551 = arith.constant 64 : index
    %swap3A_552 = tpu.vector_load %arg9[%swap3A_551] {strides = array<i32>} : memref<128xf32, #tpu.memory_space<vmem>>, vector<16xf32>,
    %swap3A_553 = vector.shape_cast %swap3A_552 : vector<16xf32> to vector<16xf32>
    %swap3A_554 = vector.shape_cast %mul3A_550 : vector<16xf32> to vector<16xf32>
    tpu.vector_store %arg9[%swap3A_551], %swap3A_554 {strides = array<i32>} : memref<128xf32, #tpu.memory_space<vmem>>, vector<16xf32>,
    %get3A_555 = arith.constant 0 : i32
    %get3A_556 = arith.index_cast %get3A_555 : i32 to index
    %get3A_557 = arith.constant 80 : index
    %get3A_558 = tpu.vector_load %arg7[%get3A_556, %get3A_557] {strides = array<i32>} : memref<13x128xf32, #tpu.memory_space<vmem>>, vector<1x16xf32>,
    %get3A_559 = vector.shape_cast %get3A_558 : vector<1x16xf32> to vector<16xf32>
    %convert_element_type3A_560 = arith.fptosi %get3A_559 : vector<16xf32> to vector<16xi32>
    %get3A_561 = arith.constant 1 : i32
    %get3A_562 = arith.index_cast %get3A_561 : i32 to index
    %get3A_563 = arith.constant 80 : index
    %get3A_564 = tpu.vector_load %arg7[%get3A_562, %get3A_563] {strides = array<i32>} : memref<13x128xf32, #tpu.memory_space<vmem>>, vector<1x16xf32>,
    %get3A_565 = vector.shape_cast %get3A_564 : vector<1x16xf32> to vector<16xf32>
    %convert_element_type3A_566 = arith.fptosi %get3A_565 : vector<16xf32> to vector<16xi32>
    %get3A_567 = arith.constant 0 : i32
    %get3A_568 = arith.index_cast %get3A_567 : i32 to index
    %get3A_569 = arith.constant 0 : index
    %get3A_570 = tpu.vector_load %arg6[%get3A_568, %get3A_569] {strides = array<i32>} : memref<256x16xf32, #tpu.memory_space<vmem>>, vector<1x16xf32>,
    %get3A_571 = vector.shape_cast %get3A_570 : vector<1x16xf32> to vector<16xf32>
    %broadcast_in_dim3A_572 = vector.shape_cast %convert_element_type3A_560 : vector<16xi32> to vector<16x1xi32>
    %gather3A_573 = vector.shape_cast %broadcast_in_dim3A_572 : vector<16x1xi32> to vector<16xi32>
    %gather3A_574 = tpu.dynamic_gather %get3A_571[%gather3A_573] in [0] : vector<16xf32>, vector<16xi32> -> vector<16xf32>
    %get3A_575 = arith.constant 2 : i32
    %get3A_576 = arith.index_cast %get3A_575 : i32 to index
    %get3A_577 = arith.constant 80 : index
    %get3A_578 = tpu.vector_load %arg7[%get3A_576, %get3A_577] {strides = array<i32>} : memref<13x128xf32, #tpu.memory_space<vmem>>, vector<1x16xf32>,
    %get3A_579 = vector.shape_cast %get3A_578 : vector<1x16xf32> to vector<16xf32>
    %add3A_580 = arith.addf %gather3A_574, %get3A_579 : vector<16xf32>
    %broadcast_in_dim3A_581 = vector.shape_cast %convert_element_type3A_566 : vector<16xi32> to vector<16x1xi32>
    %gather3A_582 = vector.shape_cast %broadcast_in_dim3A_581 : vector<16x1xi32> to vector<16xi32>
    %gather3A_583 = tpu.dynamic_gather %get3A_571[%gather3A_582] in [0] : vector<16xf32>, vector<16xi32> -> vector<16xf32>
    %get3A_584 = arith.constant 3 : i32
    %get3A_585 = arith.index_cast %get3A_584 : i32 to index
    %get3A_586 = arith.constant 80 : index
    %get3A_587 = tpu.vector_load %arg7[%get3A_585, %get3A_586] {strides = array<i32>} : memref<13x128xf32, #tpu.memory_space<vmem>>, vector<1x16xf32>,
    %get3A_588 = vector.shape_cast %get3A_587 : vector<1x16xf32> to vector<16xf32>
    %add3A_589 = arith.addf %gather3A_583, %get3A_588 : vector<16xf32>
    %get3A_590 = arith.constant 4 : i32
    %get3A_591 = arith.index_cast %get3A_590 : i32 to index
    %get3A_592 = arith.constant 80 : index
    %get3A_593 = tpu.vector_load %arg7[%get3A_591, %get3A_592] {strides = array<i32>} : memref<13x128xf32, #tpu.memory_space<vmem>>, vector<1x16xf32>,
    %get3A_594 = vector.shape_cast %get3A_593 : vector<1x16xf32> to vector<16xf32>
    %get3A_595 = arith.constant 5 : i32
    %get3A_596 = arith.index_cast %get3A_595 : i32 to index
    %get3A_597 = arith.constant 80 : index
    %get3A_598 = tpu.vector_load %arg7[%get3A_596, %get3A_597] {strides = array<i32>} : memref<13x128xf32, #tpu.memory_space<vmem>>, vector<1x16xf32>,
    %get3A_599 = vector.shape_cast %get3A_598 : vector<1x16xf32> to vector<16xf32>
    %get3A_600 = arith.constant 6 : i32
    %get3A_601 = arith.index_cast %get3A_600 : i32 to index
    %get3A_602 = arith.constant 80 : index
    %get3A_603 = tpu.vector_load %arg7[%get3A_601, %get3A_602] {strides = array<i32>} : memref<13x128xf32, #tpu.memory_space<vmem>>, vector<1x16xf32>,
    %get3A_604 = vector.shape_cast %get3A_603 : vector<1x16xf32> to vector<16xf32>
    %get3A_605 = arith.constant 7 : i32
    %get3A_606 = arith.index_cast %get3A_605 : i32 to index
    %get3A_607 = arith.constant 80 : index
    %get3A_608 = tpu.vector_load %arg7[%get3A_606, %get3A_607] {strides = array<i32>} : memref<13x128xf32, #tpu.memory_space<vmem>>, vector<1x16xf32>,
    %get3A_609 = vector.shape_cast %get3A_608 : vector<1x16xf32> to vector<16xf32>
    %get3A_610 = arith.constant 8 : i32
    %get3A_611 = arith.index_cast %get3A_610 : i32 to index
    %get3A_612 = arith.constant 80 : index
    %get3A_613 = tpu.vector_load %arg7[%get3A_611, %get3A_612] {strides = array<i32>} : memref<13x128xf32, #tpu.memory_space<vmem>>, vector<1x16xf32>,
    %get3A_614 = vector.shape_cast %get3A_613 : vector<1x16xf32> to vector<16xf32>
    %get3A_615 = arith.constant 9 : i32
    %get3A_616 = arith.index_cast %get3A_615 : i32 to index
    %get3A_617 = arith.constant 80 : index
    %get3A_618 = tpu.vector_load %arg7[%get3A_616, %get3A_617] {strides = array<i32>} : memref<13x128xf32, #tpu.memory_space<vmem>>, vector<1x16xf32>,
    %get3A_619 = vector.shape_cast %get3A_618 : vector<1x16xf32> to vector<16xf32>
    %get3A_620 = arith.constant 10 : i32
    %get3A_621 = arith.index_cast %get3A_620 : i32 to index
    %get3A_622 = arith.constant 80 : index
    %get3A_623 = tpu.vector_load %arg7[%get3A_621, %get3A_622] {strides = array<i32>} : memref<13x128xf32, #tpu.memory_space<vmem>>, vector<1x16xf32>,
    %get3A_624 = vector.shape_cast %get3A_623 : vector<1x16xf32> to vector<16xf32>
    %get3A_625 = arith.constant 11 : i32
    %get3A_626 = arith.index_cast %get3A_625 : i32 to index
    %get3A_627 = arith.constant 80 : index
    %get3A_628 = tpu.vector_load %arg7[%get3A_626, %get3A_627] {strides = array<i32>} : memref<13x128xf32, #tpu.memory_space<vmem>>, vector<1x16xf32>,
    %get3A_629 = vector.shape_cast %get3A_628 : vector<1x16xf32> to vector<16xf32>
    %broadcast_in_dim3A_630 = arith.constant -1.000000e+00 : f32
    %broadcast_in_dim3A_631 = vector.broadcast %broadcast_in_dim3A_630 : f32 to vector<16xf32>
    %scan3A_632 = arith.constant 0 : i32
    %scan3A_633 = arith.constant 256 : i32
    %scan3A_634 = arith.addi %scan3A_632, %scan3A_633 : i32
    %scan3A_635 = arith.constant 1 : i32
    %scan3A_636 = scf.for %scan3A_891 = %scan3A_632 to %scan3A_634 step %scan3A_635 iter_args(%scan3A_892 = %broadcast_in_dim3A_631) -> (vector<16xf32>)  : i32 {
      %get3A_893 = arith.index_cast %scan3A_891 : i32 to index
      %get3A_894 = arith.constant 0 : index
      %get3A_895 = tpu.vector_load %arg6[%get3A_893, %get3A_894] {strides = array<i32>} : memref<256x16xf32, #tpu.memory_space<vmem>>, vector<1x16xf32>,
      %get3A_896 = vector.shape_cast %get3A_895 : vector<1x16xf32> to vector<16xf32>
      %broadcast_in_dim3A_897 = vector.shape_cast %convert_element_type3A_560 : vector<16xi32> to vector<16x1xi32>
      %gather3A_898 = vector.shape_cast %broadcast_in_dim3A_897 : vector<16x1xi32> to vector<16xi32>
      %gather3A_899 = tpu.dynamic_gather %get3A_896[%gather3A_898] in [0] : vector<16xf32>, vector<16xi32> -> vector<16xf32>
      %broadcast_in_dim3A_900 = vector.shape_cast %convert_element_type3A_566 : vector<16xi32> to vector<16x1xi32>
      %gather3A_901 = vector.shape_cast %broadcast_in_dim3A_900 : vector<16x1xi32> to vector<16xi32>
      %gather3A_902 = tpu.dynamic_gather %get3A_896[%gather3A_901] in [0] : vector<16xf32>, vector<16xi32> -> vector<16xf32>
      %get3A_903 = arith.index_cast %scan3A_891 : i32 to index
      %get3A_904 = arith.constant 80 : index
      %get3A_905 = tpu.vector_load %arg8[%get3A_903, %get3A_904] {strides = array<i32>} : memref<256x128xf32, #tpu.memory_space<vmem>>, vector<1x16xf32>,
      %get3A_906 = vector.shape_cast %get3A_905 : vector<1x16xf32> to vector<16xf32>
      %sub3A = arith.subf %gather3A_899, %add3A_580 : vector<16xf32>
      %sub3A_907 = arith.subf %gather3A_902, %add3A_589 : vector<16xf32>
      %abs3A = math.absf %sub3A : vector<16xf32>
      %abs3A_908 = math.absf %sub3A_907 : vector<16xf32>
      %sub3A_909 = arith.subf %abs3A, %get3A_594 : vector<16xf32>
      %sub3A_910 = arith.subf %get3A_599, %abs3A : vector<16xf32>
      %min3A_911 = arith.minimumf %sub3A_909, %sub3A_910 : vector<16xf32>
      %sub3A_912 = arith.subf %abs3A_908, %get3A_604 : vector<16xf32>
      %sub3A_913 = arith.subf %get3A_609, %abs3A_908 : vector<16xf32>
      %min3A_914 = arith.minimumf %sub3A_912, %sub3A_913 : vector<16xf32>
      %mul3A_915 = arith.mulf %sub3A, %get3A_614 : vector<16xf32>
      %mul3A_916 = arith.mulf %sub3A_907, %get3A_619 : vector<16xf32>
      %add3A_917 = arith.addf %mul3A_915, %mul3A_916 : vector<16xf32>
      %mul3A_918 = arith.mulf %sub3A_907, %get3A_614 : vector<16xf32>
      %mul3A_919 = arith.mulf %sub3A, %get3A_619 : vector<16xf32>
      %sub3A_920 = arith.subf %mul3A_918, %mul3A_919 : vector<16xf32>
      %mul3A_921 = arith.constant 0.414213568 : f32
      %mul3A_922 = vector.broadcast %mul3A_921 : f32 to vector<16xf32>
      %mul3A_923 = arith.mulf %mul3A_922, %add3A_917 : vector<16xf32>
      %abs3A_924 = math.absf %sub3A_920 : vector<16xf32>
      %sub3A_925 = arith.subf %mul3A_923, %abs3A_924 : vector<16xf32>
      %mul3A_926 = arith.mulf %get3A_629, %sub3A_920 : vector<16xf32>
      %add3A_927 = arith.addf %get3A_624, %mul3A_926 : vector<16xf32>
      %min3A_928 = arith.minimumf %min3A_911, %min3A_914 : vector<16xf32>
      %min3A_929 = arith.minimumf %sub3A_925, %add3A_927 : vector<16xf32>
      %min3A_930 = arith.minimumf %min3A_929, %get3A_906 : vector<16xf32>
      %min3A_931 = arith.minimumf %min3A_928, %min3A_930 : vector<16xf32>
      %max3A = arith.maximumf %scan3A_892, %min3A_931 : vector<16xf32>
      scf.yield %max3A : vector<16xf32>
    }
    %scan3A_637 = arith.constant 256 : i32
    %sign3A_638 = tpu.bitcast %scan3A_636 : vector<16xf32> -> vector<16xi32>
    %sign3A_639 = arith.constant -2147483648 : i32
    %sign3A_640 = vector.broadcast %sign3A_639 : i32 to vector<16xi32>
    %sign3A_641 = arith.andi %sign3A_638, %sign3A_640 : vector<16xi32>
    %sign3A_642 = arith.constant 1065353216 : i32
    %sign3A_643 = vector.broadcast %sign3A_642 : i32 to vector<16xi32>
    %sign3A_644 = arith.ori %sign3A_643, %sign3A_641 : vector<16xi32>
    %sign3A_645 = tpu.bitcast %sign3A_644 : vector<16xi32> -> vector<16xf32>
    %sign3A_646 = math.absf %scan3A_636 : vector<16xf32>
    %sign3A_647 = arith.constant 0.000000e+00 : f32
    %sign3A_648 = vector.broadcast %sign3A_647 : f32 to vector<16xf32>
    %sign3A_649 = arith.cmpf ogt, %sign3A_646, %sign3A_648 : vector<16xf32>
    %sign3A_650 = arith.select %sign3A_649, %sign3A_645, %scan3A_636 : vector<16xi1>, vector<16xf32>
    %add3A_651 = arith.constant 1.000000e+00 : f32
    %add3A_652 = vector.broadcast %add3A_651 : f32 to vector<16xf32>
    %add3A_653 = arith.addf %sign3A_650, %add3A_652 : vector<16xf32>
    %min3A_654 = arith.constant 1.000000e+00 : f32
    %min3A_655 = vector.broadcast %min3A_654 : f32 to vector<16xf32>
    %min3A_656 = arith.minimumf %add3A_653, %min3A_655 : vector<16xf32>
    %get3A_657 = arith.constant 12 : i32
    %get3A_658 = arith.index_cast %get3A_657 : i32 to index
    %get3A_659 = arith.constant 80 : index
    %get3A_660 = tpu.vector_load %arg7[%get3A_658, %get3A_659] {strides = array<i32>} : memref<13x128xf32, #tpu.memory_space<vmem>>, vector<1x16xf32>,
    %get3A_661 = vector.shape_cast %get3A_660 : vector<1x16xf32> to vector<16xf32>
    %mul3A_662 = arith.mulf %min3A_656, %get3A_661 : vector<16xf32>
    %swap3A_663 = arith.constant 80 : index
    %swap3A_664 = tpu.vector_load %arg9[%swap3A_663] {strides = array<i32>} : memref<128xf32, #tpu.memory_space<vmem>>, vector<16xf32>,
    %swap3A_665 = vector.shape_cast %swap3A_664 : vector<16xf32> to vector<16xf32>
    %swap3A_666 = vector.shape_cast %mul3A_662 : vector<16xf32> to vector<16xf32>
    tpu.vector_store %arg9[%swap3A_663], %swap3A_666 {strides = array<i32>} : memref<128xf32, #tpu.memory_space<vmem>>, vector<16xf32>,
    %get3A_667 = arith.constant 0 : i32
    %get3A_668 = arith.index_cast %get3A_667 : i32 to index
    %get3A_669 = arith.constant 96 : index
    %get3A_670 = tpu.vector_load %arg7[%get3A_668, %get3A_669] {strides = array<i32>} : memref<13x128xf32, #tpu.memory_space<vmem>>, vector<1x16xf32>,
    %get3A_671 = vector.shape_cast %get3A_670 : vector<1x16xf32> to vector<16xf32>
    %convert_element_type3A_672 = arith.fptosi %get3A_671 : vector<16xf32> to vector<16xi32>
    %get3A_673 = arith.constant 1 : i32
    %get3A_674 = arith.index_cast %get3A_673 : i32 to index
    %get3A_675 = arith.constant 96 : index
    %get3A_676 = tpu.vector_load %arg7[%get3A_674, %get3A_675] {strides = array<i32>} : memref<13x128xf32, #tpu.memory_space<vmem>>, vector<1x16xf32>,
    %get3A_677 = vector.shape_cast %get3A_676 : vector<1x16xf32> to vector<16xf32>
    %convert_element_type3A_678 = arith.fptosi %get3A_677 : vector<16xf32> to vector<16xi32>
    %get3A_679 = arith.constant 0 : i32
    %get3A_680 = arith.index_cast %get3A_679 : i32 to index
    %get3A_681 = arith.constant 0 : index
    %get3A_682 = tpu.vector_load %arg6[%get3A_680, %get3A_681] {strides = array<i32>} : memref<256x16xf32, #tpu.memory_space<vmem>>, vector<1x16xf32>,
    %get3A_683 = vector.shape_cast %get3A_682 : vector<1x16xf32> to vector<16xf32>
    %broadcast_in_dim3A_684 = vector.shape_cast %convert_element_type3A_672 : vector<16xi32> to vector<16x1xi32>
    %gather3A_685 = vector.shape_cast %broadcast_in_dim3A_684 : vector<16x1xi32> to vector<16xi32>
    %gather3A_686 = tpu.dynamic_gather %get3A_683[%gather3A_685] in [0] : vector<16xf32>, vector<16xi32> -> vector<16xf32>
    %get3A_687 = arith.constant 2 : i32
    %get3A_688 = arith.index_cast %get3A_687 : i32 to index
    %get3A_689 = arith.constant 96 : index
    %get3A_690 = tpu.vector_load %arg7[%get3A_688, %get3A_689] {strides = array<i32>} : memref<13x128xf32, #tpu.memory_space<vmem>>, vector<1x16xf32>,
    %get3A_691 = vector.shape_cast %get3A_690 : vector<1x16xf32> to vector<16xf32>
    %add3A_692 = arith.addf %gather3A_686, %get3A_691 : vector<16xf32>
    %broadcast_in_dim3A_693 = vector.shape_cast %convert_element_type3A_678 : vector<16xi32> to vector<16x1xi32>
    %gather3A_694 = vector.shape_cast %broadcast_in_dim3A_693 : vector<16x1xi32> to vector<16xi32>
    %gather3A_695 = tpu.dynamic_gather %get3A_683[%gather3A_694] in [0] : vector<16xf32>, vector<16xi32> -> vector<16xf32>
    %get3A_696 = arith.constant 3 : i32
    %get3A_697 = arith.index_cast %get3A_696 : i32 to index
    %get3A_698 = arith.constant 96 : index
    %get3A_699 = tpu.vector_load %arg7[%get3A_697, %get3A_698] {strides = array<i32>} : memref<13x128xf32, #tpu.memory_space<vmem>>, vector<1x16xf32>,
    %get3A_700 = vector.shape_cast %get3A_699 : vector<1x16xf32> to vector<16xf32>
    %add3A_701 = arith.addf %gather3A_695, %get3A_700 : vector<16xf32>
    %get3A_702 = arith.constant 4 : i32
    %get3A_703 = arith.index_cast %get3A_702 : i32 to index
    %get3A_704 = arith.constant 96 : index
    %get3A_705 = tpu.vector_load %arg7[%get3A_703, %get3A_704] {strides = array<i32>} : memref<13x128xf32, #tpu.memory_space<vmem>>, vector<1x16xf32>,
    %get3A_706 = vector.shape_cast %get3A_705 : vector<1x16xf32> to vector<16xf32>
    %get3A_707 = arith.constant 5 : i32
    %get3A_708 = arith.index_cast %get3A_707 : i32 to index
    %get3A_709 = arith.constant 96 : index
    %get3A_710 = tpu.vector_load %arg7[%get3A_708, %get3A_709] {strides = array<i32>} : memref<13x128xf32, #tpu.memory_space<vmem>>, vector<1x16xf32>,
    %get3A_711 = vector.shape_cast %get3A_710 : vector<1x16xf32> to vector<16xf32>
    %get3A_712 = arith.constant 6 : i32
    %get3A_713 = arith.index_cast %get3A_712 : i32 to index
    %get3A_714 = arith.constant 96 : index
    %get3A_715 = tpu.vector_load %arg7[%get3A_713, %get3A_714] {strides = array<i32>} : memref<13x128xf32, #tpu.memory_space<vmem>>, vector<1x16xf32>,
    %get3A_716 = vector.shape_cast %get3A_715 : vector<1x16xf32> to vector<16xf32>
    %get3A_717 = arith.constant 7 : i32
    %get3A_718 = arith.index_cast %get3A_717 : i32 to index
    %get3A_719 = arith.constant 96 : index
    %get3A_720 = tpu.vector_load %arg7[%get3A_718, %get3A_719] {strides = array<i32>} : memref<13x128xf32, #tpu.memory_space<vmem>>, vector<1x16xf32>,
    %get3A_721 = vector.shape_cast %get3A_720 : vector<1x16xf32> to vector<16xf32>
    %get3A_722 = arith.constant 8 : i32
    %get3A_723 = arith.index_cast %get3A_722 : i32 to index
    %get3A_724 = arith.constant 96 : index
    %get3A_725 = tpu.vector_load %arg7[%get3A_723, %get3A_724] {strides = array<i32>} : memref<13x128xf32, #tpu.memory_space<vmem>>, vector<1x16xf32>,
    %get3A_726 = vector.shape_cast %get3A_725 : vector<1x16xf32> to vector<16xf32>
    %get3A_727 = arith.constant 9 : i32
    %get3A_728 = arith.index_cast %get3A_727 : i32 to index
    %get3A_729 = arith.constant 96 : index
    %get3A_730 = tpu.vector_load %arg7[%get3A_728, %get3A_729] {strides = array<i32>} : memref<13x128xf32, #tpu.memory_space<vmem>>, vector<1x16xf32>,
    %get3A_731 = vector.shape_cast %get3A_730 : vector<1x16xf32> to vector<16xf32>
    %get3A_732 = arith.constant 10 : i32
    %get3A_733 = arith.index_cast %get3A_732 : i32 to index
    %get3A_734 = arith.constant 96 : index
    %get3A_735 = tpu.vector_load %arg7[%get3A_733, %get3A_734] {strides = array<i32>} : memref<13x128xf32, #tpu.memory_space<vmem>>, vector<1x16xf32>,
    %get3A_736 = vector.shape_cast %get3A_735 : vector<1x16xf32> to vector<16xf32>
    %get3A_737 = arith.constant 11 : i32
    %get3A_738 = arith.index_cast %get3A_737 : i32 to index
    %get3A_739 = arith.constant 96 : index
    %get3A_740 = tpu.vector_load %arg7[%get3A_738, %get3A_739] {strides = array<i32>} : memref<13x128xf32, #tpu.memory_space<vmem>>, vector<1x16xf32>,
    %get3A_741 = vector.shape_cast %get3A_740 : vector<1x16xf32> to vector<16xf32>
    %broadcast_in_dim3A_742 = arith.constant -1.000000e+00 : f32
    %broadcast_in_dim3A_743 = vector.broadcast %broadcast_in_dim3A_742 : f32 to vector<16xf32>
    %scan3A_744 = arith.constant 0 : i32
    %scan3A_745 = arith.constant 256 : i32
    %scan3A_746 = arith.addi %scan3A_744, %scan3A_745 : i32
    %scan3A_747 = arith.constant 1 : i32
    %scan3A_748 = scf.for %scan3A_891 = %scan3A_744 to %scan3A_746 step %scan3A_747 iter_args(%scan3A_892 = %broadcast_in_dim3A_743) -> (vector<16xf32>)  : i32 {
      %get3A_893 = arith.index_cast %scan3A_891 : i32 to index
      %get3A_894 = arith.constant 0 : index
      %get3A_895 = tpu.vector_load %arg6[%get3A_893, %get3A_894] {strides = array<i32>} : memref<256x16xf32, #tpu.memory_space<vmem>>, vector<1x16xf32>,
      %get3A_896 = vector.shape_cast %get3A_895 : vector<1x16xf32> to vector<16xf32>
      %broadcast_in_dim3A_897 = vector.shape_cast %convert_element_type3A_672 : vector<16xi32> to vector<16x1xi32>
      %gather3A_898 = vector.shape_cast %broadcast_in_dim3A_897 : vector<16x1xi32> to vector<16xi32>
      %gather3A_899 = tpu.dynamic_gather %get3A_896[%gather3A_898] in [0] : vector<16xf32>, vector<16xi32> -> vector<16xf32>
      %broadcast_in_dim3A_900 = vector.shape_cast %convert_element_type3A_678 : vector<16xi32> to vector<16x1xi32>
      %gather3A_901 = vector.shape_cast %broadcast_in_dim3A_900 : vector<16x1xi32> to vector<16xi32>
      %gather3A_902 = tpu.dynamic_gather %get3A_896[%gather3A_901] in [0] : vector<16xf32>, vector<16xi32> -> vector<16xf32>
      %get3A_903 = arith.index_cast %scan3A_891 : i32 to index
      %get3A_904 = arith.constant 96 : index
      %get3A_905 = tpu.vector_load %arg8[%get3A_903, %get3A_904] {strides = array<i32>} : memref<256x128xf32, #tpu.memory_space<vmem>>, vector<1x16xf32>,
      %get3A_906 = vector.shape_cast %get3A_905 : vector<1x16xf32> to vector<16xf32>
      %sub3A = arith.subf %gather3A_899, %add3A_692 : vector<16xf32>
      %sub3A_907 = arith.subf %gather3A_902, %add3A_701 : vector<16xf32>
      %abs3A = math.absf %sub3A : vector<16xf32>
      %abs3A_908 = math.absf %sub3A_907 : vector<16xf32>
      %sub3A_909 = arith.subf %abs3A, %get3A_706 : vector<16xf32>
      %sub3A_910 = arith.subf %get3A_711, %abs3A : vector<16xf32>
      %min3A_911 = arith.minimumf %sub3A_909, %sub3A_910 : vector<16xf32>
      %sub3A_912 = arith.subf %abs3A_908, %get3A_716 : vector<16xf32>
      %sub3A_913 = arith.subf %get3A_721, %abs3A_908 : vector<16xf32>
      %min3A_914 = arith.minimumf %sub3A_912, %sub3A_913 : vector<16xf32>
      %mul3A_915 = arith.mulf %sub3A, %get3A_726 : vector<16xf32>
      %mul3A_916 = arith.mulf %sub3A_907, %get3A_731 : vector<16xf32>
      %add3A_917 = arith.addf %mul3A_915, %mul3A_916 : vector<16xf32>
      %mul3A_918 = arith.mulf %sub3A_907, %get3A_726 : vector<16xf32>
      %mul3A_919 = arith.mulf %sub3A, %get3A_731 : vector<16xf32>
      %sub3A_920 = arith.subf %mul3A_918, %mul3A_919 : vector<16xf32>
      %mul3A_921 = arith.constant 0.414213568 : f32
      %mul3A_922 = vector.broadcast %mul3A_921 : f32 to vector<16xf32>
      %mul3A_923 = arith.mulf %mul3A_922, %add3A_917 : vector<16xf32>
      %abs3A_924 = math.absf %sub3A_920 : vector<16xf32>
      %sub3A_925 = arith.subf %mul3A_923, %abs3A_924 : vector<16xf32>
      %mul3A_926 = arith.mulf %get3A_741, %sub3A_920 : vector<16xf32>
      %add3A_927 = arith.addf %get3A_736, %mul3A_926 : vector<16xf32>
      %min3A_928 = arith.minimumf %min3A_911, %min3A_914 : vector<16xf32>
      %min3A_929 = arith.minimumf %sub3A_925, %add3A_927 : vector<16xf32>
      %min3A_930 = arith.minimumf %min3A_929, %get3A_906 : vector<16xf32>
      %min3A_931 = arith.minimumf %min3A_928, %min3A_930 : vector<16xf32>
      %max3A = arith.maximumf %scan3A_892, %min3A_931 : vector<16xf32>
      scf.yield %max3A : vector<16xf32>
    }
    %scan3A_749 = arith.constant 256 : i32
    %sign3A_750 = tpu.bitcast %scan3A_748 : vector<16xf32> -> vector<16xi32>
    %sign3A_751 = arith.constant -2147483648 : i32
    %sign3A_752 = vector.broadcast %sign3A_751 : i32 to vector<16xi32>
    %sign3A_753 = arith.andi %sign3A_750, %sign3A_752 : vector<16xi32>
    %sign3A_754 = arith.constant 1065353216 : i32
    %sign3A_755 = vector.broadcast %sign3A_754 : i32 to vector<16xi32>
    %sign3A_756 = arith.ori %sign3A_755, %sign3A_753 : vector<16xi32>
    %sign3A_757 = tpu.bitcast %sign3A_756 : vector<16xi32> -> vector<16xf32>
    %sign3A_758 = math.absf %scan3A_748 : vector<16xf32>
    %sign3A_759 = arith.constant 0.000000e+00 : f32
    %sign3A_760 = vector.broadcast %sign3A_759 : f32 to vector<16xf32>
    %sign3A_761 = arith.cmpf ogt, %sign3A_758, %sign3A_760 : vector<16xf32>
    %sign3A_762 = arith.select %sign3A_761, %sign3A_757, %scan3A_748 : vector<16xi1>, vector<16xf32>
    %add3A_763 = arith.constant 1.000000e+00 : f32
    %add3A_764 = vector.broadcast %add3A_763 : f32 to vector<16xf32>
    %add3A_765 = arith.addf %sign3A_762, %add3A_764 : vector<16xf32>
    %min3A_766 = arith.constant 1.000000e+00 : f32
    %min3A_767 = vector.broadcast %min3A_766 : f32 to vector<16xf32>
    %min3A_768 = arith.minimumf %add3A_765, %min3A_767 : vector<16xf32>
    %get3A_769 = arith.constant 12 : i32
    %get3A_770 = arith.index_cast %get3A_769 : i32 to index
    %get3A_771 = arith.constant 96 : index
    %get3A_772 = tpu.vector_load %arg7[%get3A_770, %get3A_771] {strides = array<i32>} : memref<13x128xf32, #tpu.memory_space<vmem>>, vector<1x16xf32>,
    %get3A_773 = vector.shape_cast %get3A_772 : vector<1x16xf32> to vector<16xf32>
    %mul3A_774 = arith.mulf %min3A_768, %get3A_773 : vector<16xf32>
    %swap3A_775 = arith.constant 96 : index
    %swap3A_776 = tpu.vector_load %arg9[%swap3A_775] {strides = array<i32>} : memref<128xf32, #tpu.memory_space<vmem>>, vector<16xf32>,
    %swap3A_777 = vector.shape_cast %swap3A_776 : vector<16xf32> to vector<16xf32>
    %swap3A_778 = vector.shape_cast %mul3A_774 : vector<16xf32> to vector<16xf32>
    tpu.vector_store %arg9[%swap3A_775], %swap3A_778 {strides = array<i32>} : memref<128xf32, #tpu.memory_space<vmem>>, vector<16xf32>,
    %get3A_779 = arith.constant 0 : i32
    %get3A_780 = arith.index_cast %get3A_779 : i32 to index
    %get3A_781 = arith.constant 112 : index
    %get3A_782 = tpu.vector_load %arg7[%get3A_780, %get3A_781] {strides = array<i32>} : memref<13x128xf32, #tpu.memory_space<vmem>>, vector<1x16xf32>,
    %get3A_783 = vector.shape_cast %get3A_782 : vector<1x16xf32> to vector<16xf32>
    %convert_element_type3A_784 = arith.fptosi %get3A_783 : vector<16xf32> to vector<16xi32>
    %get3A_785 = arith.constant 1 : i32
    %get3A_786 = arith.index_cast %get3A_785 : i32 to index
    %get3A_787 = arith.constant 112 : index
    %get3A_788 = tpu.vector_load %arg7[%get3A_786, %get3A_787] {strides = array<i32>} : memref<13x128xf32, #tpu.memory_space<vmem>>, vector<1x16xf32>,
    %get3A_789 = vector.shape_cast %get3A_788 : vector<1x16xf32> to vector<16xf32>
    %convert_element_type3A_790 = arith.fptosi %get3A_789 : vector<16xf32> to vector<16xi32>
    %get3A_791 = arith.constant 0 : i32
    %get3A_792 = arith.index_cast %get3A_791 : i32 to index
    %get3A_793 = arith.constant 0 : index
    %get3A_794 = tpu.vector_load %arg6[%get3A_792, %get3A_793] {strides = array<i32>} : memref<256x16xf32, #tpu.memory_space<vmem>>, vector<1x16xf32>,
    %get3A_795 = vector.shape_cast %get3A_794 : vector<1x16xf32> to vector<16xf32>
    %broadcast_in_dim3A_796 = vector.shape_cast %convert_element_type3A_784 : vector<16xi32> to vector<16x1xi32>
    %gather3A_797 = vector.shape_cast %broadcast_in_dim3A_796 : vector<16x1xi32> to vector<16xi32>
    %gather3A_798 = tpu.dynamic_gather %get3A_795[%gather3A_797] in [0] : vector<16xf32>, vector<16xi32> -> vector<16xf32>
    %get3A_799 = arith.constant 2 : i32
    %get3A_800 = arith.index_cast %get3A_799 : i32 to index
    %get3A_801 = arith.constant 112 : index
    %get3A_802 = tpu.vector_load %arg7[%get3A_800, %get3A_801] {strides = array<i32>} : memref<13x128xf32, #tpu.memory_space<vmem>>, vector<1x16xf32>,
    %get3A_803 = vector.shape_cast %get3A_802 : vector<1x16xf32> to vector<16xf32>
    %add3A_804 = arith.addf %gather3A_798, %get3A_803 : vector<16xf32>
    %broadcast_in_dim3A_805 = vector.shape_cast %convert_element_type3A_790 : vector<16xi32> to vector<16x1xi32>
    %gather3A_806 = vector.shape_cast %broadcast_in_dim3A_805 : vector<16x1xi32> to vector<16xi32>
    %gather3A_807 = tpu.dynamic_gather %get3A_795[%gather3A_806] in [0] : vector<16xf32>, vector<16xi32> -> vector<16xf32>
    %get3A_808 = arith.constant 3 : i32
    %get3A_809 = arith.index_cast %get3A_808 : i32 to index
    %get3A_810 = arith.constant 112 : index
    %get3A_811 = tpu.vector_load %arg7[%get3A_809, %get3A_810] {strides = array<i32>} : memref<13x128xf32, #tpu.memory_space<vmem>>, vector<1x16xf32>,
    %get3A_812 = vector.shape_cast %get3A_811 : vector<1x16xf32> to vector<16xf32>
    %add3A_813 = arith.addf %gather3A_807, %get3A_812 : vector<16xf32>
    %get3A_814 = arith.constant 4 : i32
    %get3A_815 = arith.index_cast %get3A_814 : i32 to index
    %get3A_816 = arith.constant 112 : index
    %get3A_817 = tpu.vector_load %arg7[%get3A_815, %get3A_816] {strides = array<i32>} : memref<13x128xf32, #tpu.memory_space<vmem>>, vector<1x16xf32>,
    %get3A_818 = vector.shape_cast %get3A_817 : vector<1x16xf32> to vector<16xf32>
    %get3A_819 = arith.constant 5 : i32
    %get3A_820 = arith.index_cast %get3A_819 : i32 to index
    %get3A_821 = arith.constant 112 : index
    %get3A_822 = tpu.vector_load %arg7[%get3A_820, %get3A_821] {strides = array<i32>} : memref<13x128xf32, #tpu.memory_space<vmem>>, vector<1x16xf32>,
    %get3A_823 = vector.shape_cast %get3A_822 : vector<1x16xf32> to vector<16xf32>
    %get3A_824 = arith.constant 6 : i32
    %get3A_825 = arith.index_cast %get3A_824 : i32 to index
    %get3A_826 = arith.constant 112 : index
    %get3A_827 = tpu.vector_load %arg7[%get3A_825, %get3A_826] {strides = array<i32>} : memref<13x128xf32, #tpu.memory_space<vmem>>, vector<1x16xf32>,
    %get3A_828 = vector.shape_cast %get3A_827 : vector<1x16xf32> to vector<16xf32>
    %get3A_829 = arith.constant 7 : i32
    %get3A_830 = arith.index_cast %get3A_829 : i32 to index
    %get3A_831 = arith.constant 112 : index
    %get3A_832 = tpu.vector_load %arg7[%get3A_830, %get3A_831] {strides = array<i32>} : memref<13x128xf32, #tpu.memory_space<vmem>>, vector<1x16xf32>,
    %get3A_833 = vector.shape_cast %get3A_832 : vector<1x16xf32> to vector<16xf32>
    %get3A_834 = arith.constant 8 : i32
    %get3A_835 = arith.index_cast %get3A_834 : i32 to index
    %get3A_836 = arith.constant 112 : index
    %get3A_837 = tpu.vector_load %arg7[%get3A_835, %get3A_836] {strides = array<i32>} : memref<13x128xf32, #tpu.memory_space<vmem>>, vector<1x16xf32>,
    %get3A_838 = vector.shape_cast %get3A_837 : vector<1x16xf32> to vector<16xf32>
    %get3A_839 = arith.constant 9 : i32
    %get3A_840 = arith.index_cast %get3A_839 : i32 to index
    %get3A_841 = arith.constant 112 : index
    %get3A_842 = tpu.vector_load %arg7[%get3A_840, %get3A_841] {strides = array<i32>} : memref<13x128xf32, #tpu.memory_space<vmem>>, vector<1x16xf32>,
    %get3A_843 = vector.shape_cast %get3A_842 : vector<1x16xf32> to vector<16xf32>
    %get3A_844 = arith.constant 10 : i32
    %get3A_845 = arith.index_cast %get3A_844 : i32 to index
    %get3A_846 = arith.constant 112 : index
    %get3A_847 = tpu.vector_load %arg7[%get3A_845, %get3A_846] {strides = array<i32>} : memref<13x128xf32, #tpu.memory_space<vmem>>, vector<1x16xf32>,
    %get3A_848 = vector.shape_cast %get3A_847 : vector<1x16xf32> to vector<16xf32>
    %get3A_849 = arith.constant 11 : i32
    %get3A_850 = arith.index_cast %get3A_849 : i32 to index
    %get3A_851 = arith.constant 112 : index
    %get3A_852 = tpu.vector_load %arg7[%get3A_850, %get3A_851] {strides = array<i32>} : memref<13x128xf32, #tpu.memory_space<vmem>>, vector<1x16xf32>,
    %get3A_853 = vector.shape_cast %get3A_852 : vector<1x16xf32> to vector<16xf32>
    %broadcast_in_dim3A_854 = arith.constant -1.000000e+00 : f32
    %broadcast_in_dim3A_855 = vector.broadcast %broadcast_in_dim3A_854 : f32 to vector<16xf32>
    %scan3A_856 = arith.constant 0 : i32
    %scan3A_857 = arith.constant 256 : i32
    %scan3A_858 = arith.addi %scan3A_856, %scan3A_857 : i32
    %scan3A_859 = arith.constant 1 : i32
    %scan3A_860 = scf.for %scan3A_891 = %scan3A_856 to %scan3A_858 step %scan3A_859 iter_args(%scan3A_892 = %broadcast_in_dim3A_855) -> (vector<16xf32>)  : i32 {
      %get3A_893 = arith.index_cast %scan3A_891 : i32 to index
      %get3A_894 = arith.constant 0 : index
      %get3A_895 = tpu.vector_load %arg6[%get3A_893, %get3A_894] {strides = array<i32>} : memref<256x16xf32, #tpu.memory_space<vmem>>, vector<1x16xf32>,
      %get3A_896 = vector.shape_cast %get3A_895 : vector<1x16xf32> to vector<16xf32>
      %broadcast_in_dim3A_897 = vector.shape_cast %convert_element_type3A_784 : vector<16xi32> to vector<16x1xi32>
      %gather3A_898 = vector.shape_cast %broadcast_in_dim3A_897 : vector<16x1xi32> to vector<16xi32>
      %gather3A_899 = tpu.dynamic_gather %get3A_896[%gather3A_898] in [0] : vector<16xf32>, vector<16xi32> -> vector<16xf32>
      %broadcast_in_dim3A_900 = vector.shape_cast %convert_element_type3A_790 : vector<16xi32> to vector<16x1xi32>
      %gather3A_901 = vector.shape_cast %broadcast_in_dim3A_900 : vector<16x1xi32> to vector<16xi32>
      %gather3A_902 = tpu.dynamic_gather %get3A_896[%gather3A_901] in [0] : vector<16xf32>, vector<16xi32> -> vector<16xf32>
      %get3A_903 = arith.index_cast %scan3A_891 : i32 to index
      %get3A_904 = arith.constant 112 : index
      %get3A_905 = tpu.vector_load %arg8[%get3A_903, %get3A_904] {strides = array<i32>} : memref<256x128xf32, #tpu.memory_space<vmem>>, vector<1x16xf32>,
      %get3A_906 = vector.shape_cast %get3A_905 : vector<1x16xf32> to vector<16xf32>
      %sub3A = arith.subf %gather3A_899, %add3A_804 : vector<16xf32>
      %sub3A_907 = arith.subf %gather3A_902, %add3A_813 : vector<16xf32>
      %abs3A = math.absf %sub3A : vector<16xf32>
      %abs3A_908 = math.absf %sub3A_907 : vector<16xf32>
      %sub3A_909 = arith.subf %abs3A, %get3A_818 : vector<16xf32>
      %sub3A_910 = arith.subf %get3A_823, %abs3A : vector<16xf32>
      %min3A_911 = arith.minimumf %sub3A_909, %sub3A_910 : vector<16xf32>
      %sub3A_912 = arith.subf %abs3A_908, %get3A_828 : vector<16xf32>
      %sub3A_913 = arith.subf %get3A_833, %abs3A_908 : vector<16xf32>
      %min3A_914 = arith.minimumf %sub3A_912, %sub3A_913 : vector<16xf32>
      %mul3A_915 = arith.mulf %sub3A, %get3A_838 : vector<16xf32>
      %mul3A_916 = arith.mulf %sub3A_907, %get3A_843 : vector<16xf32>
      %add3A_917 = arith.addf %mul3A_915, %mul3A_916 : vector<16xf32>
      %mul3A_918 = arith.mulf %sub3A_907, %get3A_838 : vector<16xf32>
      %mul3A_919 = arith.mulf %sub3A, %get3A_843 : vector<16xf32>
      %sub3A_920 = arith.subf %mul3A_918, %mul3A_919 : vector<16xf32>
      %mul3A_921 = arith.constant 0.414213568 : f32
      %mul3A_922 = vector.broadcast %mul3A_921 : f32 to vector<16xf32>
      %mul3A_923 = arith.mulf %mul3A_922, %add3A_917 : vector<16xf32>
      %abs3A_924 = math.absf %sub3A_920 : vector<16xf32>
      %sub3A_925 = arith.subf %mul3A_923, %abs3A_924 : vector<16xf32>
      %mul3A_926 = arith.mulf %get3A_853, %sub3A_920 : vector<16xf32>
      %add3A_927 = arith.addf %get3A_848, %mul3A_926 : vector<16xf32>
      %min3A_928 = arith.minimumf %min3A_911, %min3A_914 : vector<16xf32>
      %min3A_929 = arith.minimumf %sub3A_925, %add3A_927 : vector<16xf32>
      %min3A_930 = arith.minimumf %min3A_929, %get3A_906 : vector<16xf32>
      %min3A_931 = arith.minimumf %min3A_928, %min3A_930 : vector<16xf32>
      %max3A = arith.maximumf %scan3A_892, %min3A_931 : vector<16xf32>
      scf.yield %max3A : vector<16xf32>
    }
    %scan3A_861 = arith.constant 256 : i32
    %sign3A_862 = tpu.bitcast %scan3A_860 : vector<16xf32> -> vector<16xi32>
    %sign3A_863 = arith.constant -2147483648 : i32
    %sign3A_864 = vector.broadcast %sign3A_863 : i32 to vector<16xi32>
    %sign3A_865 = arith.andi %sign3A_862, %sign3A_864 : vector<16xi32>
    %sign3A_866 = arith.constant 1065353216 : i32
    %sign3A_867 = vector.broadcast %sign3A_866 : i32 to vector<16xi32>
    %sign3A_868 = arith.ori %sign3A_867, %sign3A_865 : vector<16xi32>
    %sign3A_869 = tpu.bitcast %sign3A_868 : vector<16xi32> -> vector<16xf32>
    %sign3A_870 = math.absf %scan3A_860 : vector<16xf32>
    %sign3A_871 = arith.constant 0.000000e+00 : f32
    %sign3A_872 = vector.broadcast %sign3A_871 : f32 to vector<16xf32>
    %sign3A_873 = arith.cmpf ogt, %sign3A_870, %sign3A_872 : vector<16xf32>
    %sign3A_874 = arith.select %sign3A_873, %sign3A_869, %scan3A_860 : vector<16xi1>, vector<16xf32>
    %add3A_875 = arith.constant 1.000000e+00 : f32
    %add3A_876 = vector.broadcast %add3A_875 : f32 to vector<16xf32>
    %add3A_877 = arith.addf %sign3A_874, %add3A_876 : vector<16xf32>
    %min3A_878 = arith.constant 1.000000e+00 : f32
    %min3A_879 = vector.broadcast %min3A_878 : f32 to vector<16xf32>
    %min3A_880 = arith.minimumf %add3A_877, %min3A_879 : vector<16xf32>
    %get3A_881 = arith.constant 12 : i32
    %get3A_882 = arith.index_cast %get3A_881 : i32 to index
    %get3A_883 = arith.constant 112 : index
    %get3A_884 = tpu.vector_load %arg7[%get3A_882, %get3A_883] {strides = array<i32>} : memref<13x128xf32, #tpu.memory_space<vmem>>, vector<1x16xf32>,
    %get3A_885 = vector.shape_cast %get3A_884 : vector<1x16xf32> to vector<16xf32>
    %mul3A_886 = arith.mulf %min3A_880, %get3A_885 : vector<16xf32>
    %swap3A_887 = arith.constant 112 : index
    %swap3A_888 = tpu.vector_load %arg9[%swap3A_887] {strides = array<i32>} : memref<128xf32, #tpu.memory_space<vmem>>, vector<16xf32>,
    %swap3A_889 = vector.shape_cast %swap3A_888 : vector<16xf32> to vector<16xf32>
    %swap3A_890 = vector.shape_cast %mul3A_886 : vector<16xf32> to vector<16xf32>
    tpu.vector_store %arg9[%swap3A_887], %swap3A_890 {strides = array<i32>} : memref<128xf32, #tpu.memory_space<vmem>>, vector<16xf32>,
    "tpu.region"() ({
      %run_scoped3A = tpu.sem_alloc : memref<!tpu.dma_semaphore, #tpu.memory_space<semaphore_mem>>
      %dma_start3A = tpu.memref_slice %arg5[%mul3A_2] : memref<4096xf32, #tpu.memory_space<hbm>> -> memref<128xf32, #tpu.memory_space<hbm>>
      %dma_start3A_891 = tpu.memref_slice %arg5[%mul3A_2] : memref<4096xf32, #tpu.memory_space<hbm>> -> memref<128xf32, #tpu.memory_space<hbm>>
      tpu.enqueue_dma source(%arg9 : memref<128xf32, #tpu.memory_space<vmem>>) target(%dma_start3A_891 : memref<128xf32, #tpu.memory_space<hbm>>) target_semaphore(%run_scoped3A : memref<!tpu.dma_semaphore, #tpu.memory_space<semaphore_mem>>)
      %dma_wait3A = tpu.memref_slice %arg5[%mul3A_2] : memref<4096xf32, #tpu.memory_space<hbm>> -> memref<128xf32, #tpu.memory_space<hbm>>
      %dma_wait3A_892 = tpu.memref_slice %arg5[%mul3A_2] : memref<4096xf32, #tpu.memory_space<hbm>> -> memref<128xf32, #tpu.memory_space<hbm>>
      tpu.wait_dma2 semaphore(%run_scoped3A : memref<!tpu.dma_semaphore, #tpu.memory_space<semaphore_mem>>) src(%arg9 : memref<128xf32, #tpu.memory_space<vmem>>) dst(%dma_wait3A_892 : memref<128xf32, #tpu.memory_space<hbm>>)
      tpu.yield
    }) : () -> ()
    return
  }
}

module attributes {stable_mosaic.version = 14 : i64} {
  func.func @_tc_body(%arg0: i32, %arg1: memref<16x256xf32, #tpu.memory_space<vmem>>, %arg2: memref<256xi32, #tpu.memory_space<vmem>>, %arg3: memref<256xi32, #tpu.memory_space<vmem>>, %arg4: memref<256xf32, #tpu.memory_space<vmem>>, %arg5: memref<256xf32, #tpu.memory_space<vmem>>, %arg6: memref<256xf32, #tpu.memory_space<vmem>>, %arg7: memref<256xf32, #tpu.memory_space<vmem>>, %arg8: memref<256xf32, #tpu.memory_space<vmem>>, %arg9: memref<256xf32, #tpu.memory_space<vmem>>, %arg10: memref<256xf32, #tpu.memory_space<vmem>>, %arg11: memref<256xf32, #tpu.memory_space<vmem>>, %arg12: memref<256xf32, #tpu.memory_space<vmem>>, %arg13: memref<256x256xf32, #tpu.memory_space<vmem>>, %arg14: memref<256xf32, #tpu.memory_space<vmem>>, %arg15: memref<256xf32, #tpu.memory_space<vmem>>) attributes {dimension_semantics = [#tpu.dimension_semantics<arbitrary>], iteration_bounds = array<i64: 16>, scalar_prefetch = 0 : i64, scratch_operands = 0 : i64, tpu.core_type = #tpu.core_type<tc>, window_params = [{pipeline_mode = #tpu.pipeline_mode<synchronous>, transform_indices = @transform_0, window_bounds = array<i64: 16, 256>}, {transform_indices = @transform_1, window_bounds = array<i64: 256>}, {transform_indices = @transform_2, window_bounds = array<i64: 256>}, {transform_indices = @transform_3, window_bounds = array<i64: 256>}, {transform_indices = @transform_4, window_bounds = array<i64: 256>}, {transform_indices = @transform_5, window_bounds = array<i64: 256>}, {transform_indices = @transform_6, window_bounds = array<i64: 256>}, {transform_indices = @transform_7, window_bounds = array<i64: 256>}, {transform_indices = @transform_8, window_bounds = array<i64: 256>}, {transform_indices = @transform_9, window_bounds = array<i64: 256>}, {transform_indices = @transform_10, window_bounds = array<i64: 256>}, {transform_indices = @transform_11, window_bounds = array<i64: 256>}, {transform_indices = @transform_12, window_bounds = array<i64: 256, 256>}, {transform_indices = @transform_13, window_bounds = array<i64: 256>}, {transform_indices = @transform_14, window_bounds = array<i64: 256>}]} {
    %get3A = arith.constant 0 : index
    %get3A_0 = arith.constant 0 : index
    %get3A_1 = vector.load %arg1[%get3A, %get3A_0] : memref<16x256xf32, #tpu.memory_space<vmem>>, vector<16x256xf32>
    %get3A_2 = arith.constant 0 : index
    %get3A_3 = vector.load %arg2[%get3A_2] : memref<256xi32, #tpu.memory_space<vmem>>, vector<256xi32>
    %get3A_4 = arith.constant 0 : index
    %get3A_5 = vector.load %arg3[%get3A_4] : memref<256xi32, #tpu.memory_space<vmem>>, vector<256xi32>
    %iota3A = tpu.iota {dimensions = array<i32: 1>} : vector<256x16xi32>
    %broadcast_in_dim3A = vector.shape_cast %get3A_3 : vector<256xi32> to vector<256x1xi32>
    %eq3A = vector.broadcast %broadcast_in_dim3A : vector<256x1xi32> to vector<256x16xi32>
    %eq3A_6 = arith.cmpi eq, %iota3A, %eq3A : vector<256x16xi32>
    %convert_element_type3A = arith.extui %eq3A_6 : vector<256x16xi1> to vector<256x16xi32>
    %convert_element_type3A_7 = arith.sitofp %convert_element_type3A : vector<256x16xi32> to vector<256x16xf32>
    %broadcast_in_dim3A_8 = vector.shape_cast %get3A_5 : vector<256xi32> to vector<256x1xi32>
    %eq3A_9 = vector.broadcast %broadcast_in_dim3A_8 : vector<256x1xi32> to vector<256x16xi32>
    %eq3A_10 = arith.cmpi eq, %iota3A, %eq3A_9 : vector<256x16xi32>
    %convert_element_type3A_11 = arith.extui %eq3A_10 : vector<256x16xi1> to vector<256x16xi32>
    %convert_element_type3A_12 = arith.sitofp %convert_element_type3A_11 : vector<256x16xi32> to vector<256x16xf32>
    %dot_general3A = arith.constant dense<0.000000e+00> : vector<256x256xf32>
    %dot_general3A_13 = tpu.matmul %convert_element_type3A_7, %get3A_1, %dot_general3A {dimension_numbers = #tpu.dot_dimension_numbers<[1], [0], [0], [1], [0, 0, 1, 1], [], []>, precision = #tpu.contract_precision<fp32>, transpose_lhs_hint = false} : vector<256x16xf32>, vector<16x256xf32>, vector<256x256xf32> -> vector<256x256xf32>
    %dot_general3A_14 = arith.constant dense<0.000000e+00> : vector<256x256xf32>
    %dot_general3A_15 = tpu.matmul %convert_element_type3A_12, %get3A_1, %dot_general3A_14 {dimension_numbers = #tpu.dot_dimension_numbers<[1], [0], [0], [1], [0, 0, 1, 1], [], []>, precision = #tpu.contract_precision<fp32>, transpose_lhs_hint = false} : vector<256x16xf32>, vector<16x256xf32>, vector<256x256xf32> -> vector<256x256xf32>
    %slice3A = vector.extract_strided_slice %dot_general3A_13 {offsets = [0, 0], sizes = [256, 1], strides = [1, 1]} : vector<256x256xf32> to vector<256x1xf32>
    %squeeze3A = vector.shape_cast %slice3A : vector<256x1xf32> to vector<256xf32>
    %get3A_16 = arith.constant 0 : index
    %get3A_17 = vector.load %arg4[%get3A_16] : memref<256xf32, #tpu.memory_space<vmem>>, vector<256xf32>
    %add3A = arith.addf %squeeze3A, %get3A_17 : vector<256xf32>
    %slice3A_18 = vector.extract_strided_slice %dot_general3A_15 {offsets = [0, 0], sizes = [256, 1], strides = [1, 1]} : vector<256x256xf32> to vector<256x1xf32>
    %squeeze3A_19 = vector.shape_cast %slice3A_18 : vector<256x1xf32> to vector<256xf32>
    %get3A_20 = arith.constant 0 : index
    %get3A_21 = vector.load %arg5[%get3A_20] : memref<256xf32, #tpu.memory_space<vmem>>, vector<256xf32>
    %add3A_22 = arith.addf %squeeze3A_19, %get3A_21 : vector<256xf32>
    %broadcast_in_dim3A_23 = vector.shape_cast %add3A : vector<256xf32> to vector<256x1xf32>
    %sub3A = vector.broadcast %broadcast_in_dim3A_23 : vector<256x1xf32> to vector<256x256xf32>
    %sub3A_24 = arith.subf %dot_general3A_13, %sub3A : vector<256x256xf32>
    %broadcast_in_dim3A_25 = vector.shape_cast %add3A_22 : vector<256xf32> to vector<256x1xf32>
    %sub3A_26 = vector.broadcast %broadcast_in_dim3A_25 : vector<256x1xf32> to vector<256x256xf32>
    %sub3A_27 = arith.subf %dot_general3A_15, %sub3A_26 : vector<256x256xf32>
    %abs3A = math.absf %sub3A_24 : vector<256x256xf32>
    %abs3A_28 = math.absf %sub3A_27 : vector<256x256xf32>
    %get3A_29 = arith.constant 0 : index
    %get3A_30 = vector.load %arg6[%get3A_29] : memref<256xf32, #tpu.memory_space<vmem>>, vector<256xf32>
    %broadcast_in_dim3A_31 = vector.shape_cast %get3A_30 : vector<256xf32> to vector<256x1xf32>
    %le3A = vector.broadcast %broadcast_in_dim3A_31 : vector<256x1xf32> to vector<256x256xf32>
    %le3A_32 = arith.cmpf ole, %le3A, %abs3A : vector<256x256xf32>
    %get3A_33 = arith.constant 0 : index
    %get3A_34 = vector.load %arg7[%get3A_33] : memref<256xf32, #tpu.memory_space<vmem>>, vector<256xf32>
    %broadcast_in_dim3A_35 = vector.shape_cast %get3A_34 : vector<256xf32> to vector<256x1xf32>
    %le3A_36 = vector.broadcast %broadcast_in_dim3A_35 : vector<256x1xf32> to vector<256x256xf32>
    %le3A_37 = arith.cmpf ole, %abs3A, %le3A_36 : vector<256x256xf32>
    %and3A = arith.andi %le3A_32, %le3A_37 : vector<256x256xi1>
    %get3A_38 = arith.constant 0 : index
    %get3A_39 = vector.load %arg8[%get3A_38] : memref<256xf32, #tpu.memory_space<vmem>>, vector<256xf32>
    %broadcast_in_dim3A_40 = vector.shape_cast %get3A_39 : vector<256xf32> to vector<256x1xf32>
    %le3A_41 = vector.broadcast %broadcast_in_dim3A_40 : vector<256x1xf32> to vector<256x256xf32>
    %le3A_42 = arith.cmpf ole, %le3A_41, %abs3A_28 : vector<256x256xf32>
    %get3A_43 = arith.constant 0 : index
    %get3A_44 = vector.load %arg9[%get3A_43] : memref<256xf32, #tpu.memory_space<vmem>>, vector<256xf32>
    %broadcast_in_dim3A_45 = vector.shape_cast %get3A_44 : vector<256xf32> to vector<256x1xf32>
    %le3A_46 = vector.broadcast %broadcast_in_dim3A_45 : vector<256x1xf32> to vector<256x256xf32>
    %le3A_47 = arith.cmpf ole, %abs3A_28, %le3A_46 : vector<256x256xf32>
    %and3A_48 = arith.andi %le3A_42, %le3A_47 : vector<256x256xi1>
    %get3A_49 = arith.constant 0 : index
    %get3A_50 = vector.load %arg10[%get3A_49] : memref<256xf32, #tpu.memory_space<vmem>>, vector<256xf32>
    %broadcast_in_dim3A_51 = vector.shape_cast %get3A_50 : vector<256xf32> to vector<256x1xf32>
    %get3A_52 = arith.constant 0 : index
    %get3A_53 = vector.load %arg11[%get3A_52] : memref<256xf32, #tpu.memory_space<vmem>>, vector<256xf32>
    %broadcast_in_dim3A_54 = vector.shape_cast %get3A_53 : vector<256xf32> to vector<256x1xf32>
    %get3A_55 = arith.constant 0 : index
    %get3A_56 = vector.load %arg12[%get3A_55] : memref<256xf32, #tpu.memory_space<vmem>>, vector<256xf32>
    %broadcast_in_dim3A_57 = vector.shape_cast %get3A_56 : vector<256xf32> to vector<256x1xf32>
    %mul3A = vector.broadcast %broadcast_in_dim3A_51 : vector<256x1xf32> to vector<256x256xf32>
    %mul3A_58 = arith.mulf %sub3A_24, %mul3A : vector<256x256xf32>
    %mul3A_59 = vector.broadcast %broadcast_in_dim3A_54 : vector<256x1xf32> to vector<256x256xf32>
    %mul3A_60 = arith.mulf %sub3A_27, %mul3A_59 : vector<256x256xf32>
    %add3A_61 = arith.addf %mul3A_58, %mul3A_60 : vector<256x256xf32>
    %mul3A_62 = vector.broadcast %broadcast_in_dim3A_51 : vector<256x1xf32> to vector<256x256xf32>
    %mul3A_63 = arith.mulf %sub3A_27, %mul3A_62 : vector<256x256xf32>
    %mul3A_64 = vector.broadcast %broadcast_in_dim3A_54 : vector<256x1xf32> to vector<256x256xf32>
    %mul3A_65 = arith.mulf %sub3A_24, %mul3A_64 : vector<256x256xf32>
    %sub3A_66 = arith.subf %mul3A_63, %mul3A_65 : vector<256x256xf32>
    %abs3A_67 = math.absf %sub3A_66 : vector<256x256xf32>
    %mul3A_68 = arith.constant 0.414213568 : f32
    %mul3A_69 = vector.broadcast %mul3A_68 : f32 to vector<256x256xf32>
    %mul3A_70 = arith.mulf %mul3A_69, %add3A_61 : vector<256x256xf32>
    %le3A_71 = arith.cmpf ole, %abs3A_67, %mul3A_70 : vector<256x256xf32>
    %eq3A_72 = arith.constant 0.000000e+00 : f32
    %eq3A_73 = vector.broadcast %eq3A_72 : f32 to vector<256x1xf32>
    %eq3A_74 = arith.cmpf oeq, %broadcast_in_dim3A_57, %eq3A_73 : vector<256x1xf32>
    %gt3A = arith.constant 0.000000e+00 : f32
    %gt3A_75 = vector.broadcast %gt3A : f32 to vector<256x1xf32>
    %gt3A_76 = arith.cmpf ogt, %broadcast_in_dim3A_57, %gt3A_75 : vector<256x1xf32>
    %le3A_77 = arith.constant 0.000000e+00 : f32
    %le3A_78 = vector.broadcast %le3A_77 : f32 to vector<256x256xf32>
    %le3A_79 = arith.cmpf ole, %sub3A_66, %le3A_78 : vector<256x256xf32>
    %and3A_80 = vector.broadcast %gt3A_76 : vector<256x1xi1> to vector<256x256xi1>
    %and3A_81 = arith.andi %and3A_80, %le3A_79 : vector<256x256xi1>
    %or3A = vector.broadcast %eq3A_74 : vector<256x1xi1> to vector<256x256xi1>
    %or3A_82 = arith.ori %or3A, %and3A_81 : vector<256x256xi1>
    %lt3A = arith.constant 0.000000e+00 : f32
    %lt3A_83 = vector.broadcast %lt3A : f32 to vector<256x1xf32>
    %lt3A_84 = arith.cmpf olt, %broadcast_in_dim3A_57, %lt3A_83 : vector<256x1xf32>
    %gt3A_85 = arith.constant 0.000000e+00 : f32
    %gt3A_86 = vector.broadcast %gt3A_85 : f32 to vector<256x256xf32>
    %gt3A_87 = arith.cmpf ogt, %sub3A_66, %gt3A_86 : vector<256x256xf32>
    %and3A_88 = vector.broadcast %lt3A_84 : vector<256x1xi1> to vector<256x256xi1>
    %and3A_89 = arith.andi %and3A_88, %gt3A_87 : vector<256x256xi1>
    %or3A_90 = arith.ori %or3A_82, %and3A_89 : vector<256x256xi1>
    %and3A_91 = arith.andi %le3A_71, %or3A_90 : vector<256x256xi1>
    %and3A_92 = arith.andi %and3A_91, %and3A : vector<256x256xi1>
    %and3A_93 = arith.andi %and3A_92, %and3A_48 : vector<256x256xi1>
    %get3A_94 = arith.constant 0 : index
    %get3A_95 = arith.constant 0 : index
    %get3A_96 = vector.load %arg13[%get3A_94, %get3A_95] : memref<256x256xf32, #tpu.memory_space<vmem>>, vector<256x256xf32>
    %gt3A_97 = arith.constant 0.000000e+00 : f32
    %gt3A_98 = vector.broadcast %gt3A_97 : f32 to vector<256x256xf32>
    %gt3A_99 = arith.cmpf ogt, %get3A_96, %gt3A_98 : vector<256x256xf32>
    %and3A_100 = arith.andi %and3A_93, %gt3A_99 : vector<256x256xi1>
    %convert_element_type3A_101 = arith.extui %and3A_100 : vector<256x256xi1> to vector<256x256xi32>
    %convert_element_type3A_102 = arith.sitofp %convert_element_type3A_101 : vector<256x256xi32> to vector<256x256xf32>
    %reduce_sum3A = arith.constant dense<0.000000e+00> : vector<256xf32>
    %reduce_sum3A_103 = vector.multi_reduction <add>, %convert_element_type3A_102, %reduce_sum3A [1] : vector<256x256xf32> to vector<256xf32>
    %gt3A_104 = arith.constant 0.000000e+00 : f32
    %gt3A_105 = vector.broadcast %gt3A_104 : f32 to vector<256xf32>
    %gt3A_106 = arith.cmpf ogt, %reduce_sum3A_103, %gt3A_105 : vector<256xf32>
    %convert_element_type3A_107 = arith.extui %gt3A_106 : vector<256xi1> to vector<256xi32>
    %convert_element_type3A_108 = arith.sitofp %convert_element_type3A_107 : vector<256xi32> to vector<256xf32>
    %get3A_109 = arith.constant 0 : index
    %get3A_110 = vector.load %arg14[%get3A_109] : memref<256xf32, #tpu.memory_space<vmem>>, vector<256xf32>
    %mul3A_111 = arith.mulf %convert_element_type3A_108, %get3A_110 : vector<256xf32>
    %swap3A = arith.constant 0 : index
    %swap3A_112 = vector.load %arg15[%swap3A] : memref<256xf32, #tpu.memory_space<vmem>>, vector<256xf32>
    tpu.vector_store %arg15[%swap3A], %mul3A_111 {strides = array<i32>} : memref<256xf32, #tpu.memory_space<vmem>>, vector<256xf32>,
    return
  }
  func.func @transform_0(%arg0: i32) -> (i32, i32) {
    %c0_i32 = arith.constant 0 : i32
    %c0_i32_0 = arith.constant 0 : i32
    %c0_i32_1 = arith.constant 0 : i32
    return %c0_i32, %c0_i32_0 : i32, i32
  }
  func.func @transform_1(%arg0: i32) -> i32 {
    %c0_i32 = arith.constant 0 : i32
    return %arg0 : i32
  }
  func.func @transform_2(%arg0: i32) -> i32 {
    %c0_i32 = arith.constant 0 : i32
    return %arg0 : i32
  }
  func.func @transform_3(%arg0: i32) -> i32 {
    %c0_i32 = arith.constant 0 : i32
    return %arg0 : i32
  }
  func.func @transform_4(%arg0: i32) -> i32 {
    %c0_i32 = arith.constant 0 : i32
    return %arg0 : i32
  }
  func.func @transform_5(%arg0: i32) -> i32 {
    %c0_i32 = arith.constant 0 : i32
    return %arg0 : i32
  }
  func.func @transform_6(%arg0: i32) -> i32 {
    %c0_i32 = arith.constant 0 : i32
    return %arg0 : i32
  }
  func.func @transform_7(%arg0: i32) -> i32 {
    %c0_i32 = arith.constant 0 : i32
    return %arg0 : i32
  }
  func.func @transform_8(%arg0: i32) -> i32 {
    %c0_i32 = arith.constant 0 : i32
    return %arg0 : i32
  }
  func.func @transform_9(%arg0: i32) -> i32 {
    %c0_i32 = arith.constant 0 : i32
    return %arg0 : i32
  }
  func.func @transform_10(%arg0: i32) -> i32 {
    %c0_i32 = arith.constant 0 : i32
    return %arg0 : i32
  }
  func.func @transform_11(%arg0: i32) -> i32 {
    %c0_i32 = arith.constant 0 : i32
    return %arg0 : i32
  }
  func.func @transform_12(%arg0: i32) -> (i32, i32) {
    %c0_i32 = arith.constant 0 : i32
    %c0_i32_0 = arith.constant 0 : i32
    return %arg0, %c0_i32 : i32, i32
  }
  func.func @transform_13(%arg0: i32) -> i32 {
    %c0_i32 = arith.constant 0 : i32
    return %arg0 : i32
  }
  func.func @transform_14(%arg0: i32) -> i32 {
    %c0_i32 = arith.constant 0 : i32
    return %arg0 : i32
  }
}

</mosaic_0001>

<sc_bundles>
// kernel: kernel.4.cloned.1.call-start
scs
__scs_entry_jumppad:
0x0: {  	(pc) =	sbr.rel $0x88, $3  }
0x1: {  	(tag) =	ssettag $0x0;
	lr =	simm.s32 $0x1  }
0x2: {  	[smem:$0x3F99] =	sst lr;
	_ =	strace $0xD0000000  }
0x3: {  	_ = 	snop  }
0x4: {  	_ = 	snop  }
0x5: {  	_ = 	snop  }
0x6: {  	_ = 	snop  }
0x7: {  	_ = 	snop  }
__scs_overlays_trampoline_lowered:
0x8: {  	[smem:$0x3FA8] =	sst s0  }
0x9: {  	[smem:$0x3FA9] =	sst s1  }
0xa: {  	[smem:$0x3FAA] =	sst s2  }
0xb: {  	[smem:$0x3FAB] =	sst s3  }
0xc: {  	[smem:$0x3FAC] =	sst s4  }
0xd: {  	[smem:$0x3FAD] =	sst s5  }
0xe: {  	[smem:$0x3FAE] =	sst s6  }
0xf: {  	[smem:$0x3FAF] =	sst s7  }
0x10: {  	[smem:$0x3FB0] =	sst s8  }
0x11: {  	[smem:$0x3FB1] =	sst s9;
	s0 =	simm.s32 @!p0 $0x0  }
0x12: {  	s1 =	sld [smem:$0x3F97];
	s0 =	simm.s32 @p0 $0x1  }
0x13: {  	[smem:$0x3FB2] =	sst s0;
	s0 =	simm.s32 @!p1 $0x0  }
0x14: {  	s2 =	sld [smem:$0x3F96];
	s0 =	simm.s32 @p1 $0x1  }
0x15: {  	[smem:$0x3FB3] =	sst s0;
	s0 =	simm.s32 @!p2 $0x0  }
0x16: {  	s3 =	sld [smem:$0x3FDB];
	s0 =	simm.s32 @p2 $0x1  }
0x17: {  	s4 =	simm.s32 $0x1BF5;
	[smem:$0x3FB5] =	sst s0  }
0x18: {  	s0 =	sld [smem:$0x3F98];
	_ =	swait.ge [sflag:s4], $0x0  }
0x19: {  	s7 =	sld [smem:$0x3F99]  }
0x1a: {  	s8 =	sadd.s32 $0xFFFFE003, lr  }
0x1b: {  	s9 =	sadd.s32 $0xFFFFFEF7, lr;
	s5 =	simm.s32 $0xFFFFFFFF;
	p2 =	slt.u32 s8, $0xFFFFF086  }
0x1c: {  	p1 =	slt.u32 s9, $0xF7A;
	s5 =	simm.s32 @!p2 $0x0  }
0x1d: {  	s5 =	simm.s32 @p1 $0x1;
	p0 =	seq.s32 s7, s2  }
0x1e: {  	s7 =	smul.u32 @!p0 $0xF7A, s2;
	p2 =	seq.s32 @!p0 s5, $0x0  }
0x1f: {  	s9 =	smul.u32 $0xF7A, s1;
	s8 =	simm.s32 @!p0 $0x1BF5;
	p2 =	por !p2, p0  }
0x20: {  	[sflag:s8] =	ssyncset.s32 @!p0 $0xFFFFF086;
	s6 =	sadd.s32 @!p0 s3, s7;
	s7 =	simm.s32 @!p0 $0x108  }
0x21: {  	s3 =	sadd.s32 s3, s9;
	s6 =	sadd.s32 @!p0 $0x88, s6;
	s7 =	simm.s32 @p2 $0x1082  }
0x22: {  	[simem:s7], [sflag:s8] =	dma.local @!p0 [hbm:s6], $0xF7A  }
0x23: {  	s9 =	sor.u32 $0xD0000000, s2;
	s6 =	simm.s32 $0x108;
	_ =	swait.ge @!p0 [sflag:s8], $0x0  }
0x24: {  	s3 =	sadd.s32 $0x88, s3;
	s6 =	simm.s32 @!p1 $0x1082;
	[sflag:s4] =	ssyncset.s32 $0xFFFFF086  }
0x25: {  	[simem:s6], [sflag:s4] =	dma.local [hbm:s3], $0xF7A  }
0x26: {  	[smem:$0x3F99] =	sst s1;
	(tag) =	ssettag s2;
	_ =	strace s9  }
0x27: {  	s1 =	sld [smem:$0x3FA9]  }
0x28: {  	s2 =	sld [smem:$0x3FAA]  }
0x29: {  	s4 =	sld [smem:$0x3FAC]  }
0x2a: {  	p0 =	seq.s32 s5, $0x0;
	s5 =	sld [smem:$0x3FAD]  }
0x2b: {  	s6 =	sld [smem:$0x3FAE]  }
0x2c: {  	s7 =	sld [smem:$0x3FAF]  }
0x2d: {  	s3 =	simm.s32 $0x108;
	s8 =	sld [smem:$0x3FB0]  }
0x2e: {  	s3 =	simm.s32 @!p0 $0x1082;
	s9 =	sld [smem:$0x3FB1]  }
0x2f: {  	lr =	sadd.s32 s0, s3;
	s0 =	sld [smem:$0x3FA8]  }
0x30: {  	s3 =	sld [smem:$0x3FAB]  }
0x31: {  	[smem:$0x3FB4] =	sst s10  }
0x32: {  	s10 =	sld [smem:$0x3FB2];
	_ =	sdelay $0x3  }
0x33: {  	p0 =	seq.s32 s10, $0x1;
	s10 =	sld [smem:$0x3FB4];
	_ =	sdelay $0x3  }
0x34: {  	[smem:$0x3FB4] =	sst s10  }
0x35: {  	s10 =	sld [smem:$0x3FB3];
	_ =	sdelay $0x3  }
0x36: {  	p1 =	seq.s32 s10, $0x1;
	s10 =	sld [smem:$0x3FB4];
	_ =	sdelay $0x3  }
0x37: {  	[smem:$0x3FB4] =	sst s10  }
0x38: {  	s10 =	sld [smem:$0x3FB5]  }
0x39: {  	_ = 	snop;
	(pc) =	sbr.ind lr, $3  }
0x3a: {  	_ = 	snop  }
0x3b: {  	_ = 	snop  }
0x3c: {  	p2 =	seq.s32 s10, $0x1;
	s10 =	sld [smem:$0x3FB4]  }
0x3d: {  	_ =	shalt  }
0x3e: {  	_ =	shalt  }
0x3f: {  	_ =	shalt  }
0x40: {  	_ =	shalt  }
0x41: {  	_ =	shalt  }
0x42: {  	_ =	shalt  }
0x43: {  	_ =	shalt  }
0x44: {  	_ =	shalt  }
0x45: {  	_ =	shalt  }
0x46: {  	_ =	shalt  }
0x47: {  	_ =	shalt  }
0x48: {  	_ =	shalt  }
0x49: {  	_ =	shalt  }
0x4a: {  	_ =	shalt  }
0x4b: {  	_ =	shalt  }
0x4c: {  	_ =	shalt  }
0x4d: {  	_ =	shalt  }
0x4e: {  	_ =	shalt  }
0x4f: {  	_ =	shalt  }
0x50: {  	_ =	shalt  }
0x51: {  	_ =	shalt  }
0x52: {  	_ =	shalt  }
0x53: {  	_ =	shalt  }
0x54: {  	_ =	shalt  }
0x55: {  	_ =	shalt  }
0x56: {  	_ =	shalt  }
0x57: {  	_ =	shalt  }
0x58: {  	_ =	shalt  }
0x59: {  	_ =	shalt  }
0x5a: {  	_ =	shalt  }
0x5b: {  	_ =	shalt  }
0x5c: {  	_ =	shalt  }
0x5d: {  	_ =	shalt  }
0x5e: {  	_ =	shalt  }
0x5f: {  	_ =	shalt  }
0x60: {  	_ =	shalt  }
0x61: {  	_ =	shalt  }
0x62: {  	_ =	shalt  }
0x63: {  	_ =	shalt  }
0x64: {  	_ =	shalt  }
0x65: {  	_ =	shalt  }
0x66: {  	_ =	shalt  }
0x67: {  	_ =	shalt  }
0x68: {  	_ =	shalt  }
0x69: {  	_ =	shalt  }
0x6a: {  	_ =	shalt  }
0x6b: {  	_ =	shalt  }
0x6c: {  	_ =	shalt  }
0x6d: {  	_ =	shalt  }
0x6e: {  	_ =	shalt  }
0x6f: {  	_ =	shalt  }
0x70: {  	_ =	shalt  }
0x71: {  	_ =	shalt  }
0x72: {  	_ =	shalt  }
0x73: {  	_ =	shalt  }
0x74: {  	_ =	shalt  }
0x75: {  	_ =	shalt  }
0x76: {  	_ =	shalt  }
0x77: {  	_ =	shalt  }
0x78: {  	_ =	shalt  }
0x79: {  	_ =	shalt  }
0x7a: {  	_ =	shalt  }
0x7b: {  	_ =	shalt  }
0x7c: {  	_ =	shalt  }
0x7d: {  	_ =	shalt  }
0x7e: {  	_ =	shalt  }
0x7f: {  	_ =	shalt  }
0x80: {  	_ =	shalt  }
0x81: {  	_ =	shalt  }
0x82: {  	_ =	shalt  }
0x83: {  	_ =	shalt  }
0x84: {  	_ =	shalt  }
0x85: {  	_ =	shalt  }
0x86: {  	_ =	shalt  }
0x87: {  	_ =	shalt  }
.Lfunc_end0:
.L_simem_size_0:
called_computation_lowered:
.L_overlay_start_0:
0x88: {  	s2 =	sld [smem:$0x3FD9]  }
0x89: {  	s3 =	sld [smem:$0x3FFE];
	_ =	sdelay $0x1  }
0x8a: {  	s1 =	srdreg.scid  }
0x8b: {  	s0 =	sand.u32 $0x1, s1  }
0x8c: {  	s16 =	sshll.u32 s0, $0xA;
	s2 =	sadd.s32 s3, s2  }
0x8d: {  	s2 =	sadd.s32 s2, s16  }
0x8e: {  	[smem:$0x3FC0] =	sst s2  }
0x8f: {  	_ = 	snop  }
0x90: {  	(tm) =	ssettm $0x1  }
0x91: {  	s17 =	sld [smem:$0x3FFB];
	_ =	sdelay $0x3  }
0x92: {  	_ =	strace s17  }
0x93: {  	s2 =	sld [smem:$0x3FFC];
	_ =	sdelay $0x3  }
0x94: {  	_ =	strace s2  }
0x95: {  	s2 =	sld [smem:$0x3FFD];
	_ =	sdelay $0x3  }
0x96: {  	_ =	strace s2  }
0x97: {  	_ =	strace $0x8FFFFFFF  }
0x98: {  	s18 =	sld [smem:$0x3FDB];
	_ =	sdelay $0x1  }
0x99: {  	s19 =	simm.s32 $_scs_section_size  }
0x9a: {  	s4 =	simm.s32 $_size__tile_overlayer_lowered;
	s5 =	simm.s32 $_tile_overlayer_lowered  }
0x9b: {  	s22 =	simm.s32 $0x1BFF;
	s21 =	sshll.u32 s5, $0x1;
	s2 =	sadd.s32 s19, s18  }
0x9c: {  	s6 =	simm.s32 $0x0;
	s20 =	sshll.u32 s4, $0x1;
	s4 =	sadd.s32 s21, s2  }
0x9d: {  	[timem:s6], [sflag:s22] =	dma.local [hbm:s4], s20  }
0x9e: {  	_ =	swait.ge [sflag:s22], s20  }
0x9f: {  	s3 =	ssub.s32 $0x0, s20;
	[sflag:s22] =	ssyncset.done $0x0  }
0xa0: {  	[sflag:s22] =	ssyncadd.s32 s3;
	_ =	sdelay $0x1  }
0xa1: {  	s23 =	simm.s32 $0x1B8B  }
0xa2: {  	_ =	swait.ge [sflag:s23], $0x1  }
0xa3: {  	[sflag:s23] =	ssyncset.done $0x0  }
0xa4: {  	s25 =	simm.s32 $0x1B8E;
	s24 =	sld [smem:$0x3FFE];
	[sflag:s23] =	ssyncadd.s32 $0xFFFFFFFF  }
0xa5: {  	s26 =	simm.s32 $execute0_lowered;
	[smem:$0x3FD2] =	sst s25  }
0xa6: {  	s4 =	sshll.u32 s26, $0x1;
	_ =	strace $0x80000046;
	[dreg:$0x1] =	wrdreg $0xFFFFFFFF  }
0xa7: {  	s28 =	simm.s32 $_size_execute0_lowered;
	s2 =	sadd.s32 s2, s4;
	[dreg:$0x0] =	wrdreg $0x0  }
0xa8: {  	s4 =	sshll.u32 s28, $0x1;
	[dreg:$0x2] =	wrdreg s2  }
0xa9: {  	[dreg:$0x3] =	wrdreg s4  }
0xaa: {  	[dreg:$0x4] =	wrdreg $0xC0  }
0xab: {  	_ =	task [dreg:s6], $0x5FFFF  }
0xac: {  	[dreg:$0x1] =	wrdreg $0xFFFFFFFF  }
0xad: {  	[dreg:$0x0] =	wrdreg $0x60  }
0xae: {  	[dreg:$0x2] =	wrdreg s24  }
0xaf: {  	[dreg:$0x3] =	wrdreg $0x9  }
0xb0: {  	_ =	task.clear_ibuf [dreg:s6], $0x4FFFF;
	_ =	strace $0x90000046  }
0xb1: {  	s29 =	simm.s32 $0x9;
	_ =	strace $0x80000048  }
0xb2: {  	_ =	swait.ge [sflag:s29], $0x1  }
0xb3: {  	[sflag:s29] =	ssyncadd.s32 $0xFFFFFFFF  }
0xb4: {  	_ =	strace $0x90000048  }
0xb5: {  	_ =	sfence  }
0xb6: {  	s30 =	sld [smem:$0x0];
	_ =	sdelay $0x2  }
0xb7: {  	s31 =	sshll.u32 s1, $0xD;
	s1 =	sshrl.u32 s1, $0x2  }
0xb8: {  	s3 =	sand.u32 $0x4000, s31;
	s1 =	sadd.s32 s1, s30  }
0xb9: {  	s0 =	sor.u32 s3, s0;
	s1 =	sshll.u32 s1, $0x11  }
0xba: {  	s0 =	sor.u32 s1, s0  }
0xbb: {  	s0 =	sadd.s32 $0x8F2B, s0  }
0xbc: {  	[sflag:s0] =	ssyncadd.remote.s32 $0x1  }
0xbd: {  	_ =	sfence.sel $0xFFFF  }
0xbe: {  	[dreg:$0x0] =	wrdreg $0xFFFFFFFF;
	(pc) =	sbr.abs _section_cstart, $3  }
0xbf: {  	[dreg:$0x1] =	wrdreg $0xFFFFFFFF  }
0xc0: {  	_ =	task.clear_ibuf [dreg:s6], $0x2FFFF;
	_ =	strace $0x9FFFFFFF  }
0xc1: {  	(tm) =	ssettm $0x7FFFFFFF  }
tec
execute0_lowered:
.L_overlay_start_1:
0x0: {  	(tag) =	ssettag $0x1  }
0x1: {  	s4 =	rddreg [dreg:$0x0]  }
0x2: {  	s0 =	rddreg [dreg:$0x1];
	s2 =	simm.s32 $0x0  }
0x3: {  	s3 =	srdreg.scid;
	s1 =	stileid.u32;
	s9 =	simm.s32 $0x8000  }
0x4: {  	s11 =	simm.s32 $0x8400;
	s12 =	simm.s32 $0x400;
	s13 =	simm.s32 $0x8800  }
0x5: {  	s14 =	simm.s32 $0x10800;
	s15 =	simm.s32 $0x0;
	[smem:$0x7FF] =	sst s2  }
0x6: {  	s5 =	sand.u32 $0x1, s3;
	s6 =	sshll.u32 s1, $0x1;
	s3 =	sadd.s32 $0x2400, s4  }
0x7: {  	_ =	strace $0x80000047;
	s6 =	sor.u32 s5, s6;
	s5 =	ssub.s32 $0x2, s5  }
0x8: {  	s7 =	sshll.u32 s6, $0x7;
	s6 =	sshll.u32 s6, $0x4;
	s8 =	sshrl.u32 s5, $0x1  }
0x9: {  	s7 =	sadd.s32 s7, s4;
	s6 =	sadd.s32 s6, s4;
	s8 =	ssub.s32 s5, s8  }
0xa: {  	v0 =	vimm.f32 $1.000000000e+00;
	s4 =	sadd.s32 $0x23400, s7;
	s5 =	sadd.s32 $0x3400, s7;
	s6 =	sadd.s32 $0x25400, s6  }
0xb: {  	v0 =	vand.u32 $0x7FFFFFFF, v0;
	s7 =	smax.u32 s8, $0x1;
	s8 =	simm.s32 $0x1;
	s10 =	sadd.s32 $0x1000, s4  }
.LBB2_1:
0xc: {  	[tilespmem:s2], [sflag:$0x1] =	stream.linear.gather [hbm4b:s3+s2], $0x8000, $0x38;
	[tilespmem:$0x10880] =	vst v63  }
0xd: {  	_ =	swait.ge [sflag:s8], $0x8000  }
0xe: {  	[sflag:s8] =	ssyncset.done $0x0  }
0xf: {  	[sflag:s8] =	ssyncadd.s32 $0xFFFF8000  }
0x10: {  	[tilespmem:s9], [sflag:$0x1] =	stream.linear.gather [hbm4b:s4+s2], $0x400, $0x38;
	[tilespmem:$0x10880] =	vst v63  }
0x11: {  	_ = 	snop  }
0x12: {  	[tilespmem:s11], [sflag:$0x1] =	stream.linear.gather [hbm4b:s10+s2], $0x280, $0x38;
	[tilespmem:$0x10880] =	vst v63  }
0x13: {  	_ =	swait.ge [sflag:s8], $0x680  }
0x14: {  	[sflag:s8] =	ssyncset.done $0x0  }
0x15: {  	[sflag:s8] =	ssyncadd.s32 $0xFFFFF980  }
0x16: {  	[tilespmem:s13], [sflag:$0x1] =	stream.strided.gather [hbm4b:s5+s12], $0x8000, s9, s12, $0x38;
	[tilespmem:$0x10880] =	vst v63  }
0x17: {  	_ =	swait.ge [sflag:s8], $0x8000  }
0x18: {  	[sflag:s8] =	ssyncset.done $0x0  }
0x19: {  	[sflag:s8] =	ssyncadd.s32 $0xFFFF8000  }
0x1a: {  	v1 =	vld [tilespmem:$0x8000]  }
0x1b: {  	v2 =	vld [tilespmem:$0x8080];
	_ =	sdelay $0x2  }
0x1c: {  	v3 =	vld [tilespmem:$0x0]  }
0x1d: {  	s17 =	simm.s32 $0x0;
	v4 =	vld [tilespmem:$0x8100]  }
0x1e: {  	v6 =	vld [tilespmem:s17+$0x0];
	v1 =	vtrunc.f32 v1;
	v2 =	vtrunc.f32 v2  }
0x1f: {  	v5 =	vld [tilespmem:$0x8180];
	v1 =	vcvt.f32.s32 v1;
	v2 =	vcvt.f32.s32 v2;
	_ =	sdelay $0x1  }
0x20: {  	s16 =	simm.s32 $0x80;
	v7 =	vld [tilespmem:$0x8400];
	v10 =	vand.u32 $0xF, v1;
	v12 =	vand.u32 $0xF, v2  }
0x21: {  	v13 =	vld [tilespmem:s16+$0x0];
	v1 =	vperm.xlane v3, v10;
	v2 =	vperm.xlane v3, v12  }
0x22: {  	v8 =	vld [tilespmem:$0x8480];
	v3 =	vperm.xlane v6, v10  }
0x23: {  	v11 =	vadd.f32 v4, v1;
	v9 =	vadd.f32 v5, v2;
	v4 =	vperm.xlane v6, v12  }
0x24: {  	v1 =	vld [tilespmem:$0x8200]  }
0x25: {  	v2 =	vld [tilespmem:$0x8280];
	v14 =	vsub.f32 v3, v11;
	v15 =	vsub.f32 v4, v9  }
0x26: {  	v20 =	vperm.xlane v13, v10;
	v6 =	vld [tilespmem:$0x8380]  }
0x27: {  	v3 =	vld [tilespmem:$0x8300];
	v16 =	vmul.f32 v14, v7;
	v17 =	vmul.f32 v15, v8  }
0x28: {  	v5 =	vld [tilespmem:$0x8580];
	v18 =	vmul.f32 v15, v7;
	v19 =	vmul.f32 v14, v8  }
0x29: {  	v21 =	vperm.xlane v13, v12;
	v13 =	vand.u32 $0x7FFFFFFF, v14;
	v14 =	vsub.f32 v20, v11  }
0x2a: {  	v4 =	vld [tilespmem:$0x8500];
	v16 =	vadd.f32 v17, v16;
	v17 =	vsub.f32 v18, v19  }
0x2b: {  	v15 =	vand.u32 $0x7FFFFFFF, v15;
	v18 =	vsub.f32 v13, v1;
	v19 =	vsub.f32 v2, v13  }
0x2c: {  	v23 =	vsub.f32 v6, v15;
	v22 =	vsub.f32 v15, v3;
	v13 =	vmul.f32 $4.142135680e-01, v16  }
0x2d: {  	v20 =	vld [tilespmem:s17+$0x8800];
	v16 =	vmul.f32 v17, v5;
	v15 =	vand.u32 $0x7FFFFFFF, v17;
	v18 =	vmin.f32 v18, v19  }
0x2e: {  	s17 =	simm.s32 $0x100;
	v24 =	vsub.f32 v13, v15;
	v15 =	vsub.f32 v21, v9;
	v21 =	vmin.f32 v22, v23  }
0x2f: {  	v16 =	vadd.f32 v16, v4;
	v22 =	vmin.f32 v18, v21;
	v18 =	vld [tilespmem:s17+$0x0];
	_ =	sdelay $0x1  }
0x30: {  	v17 =	vmul.f32 v14, v7;
	v16 =	vmin.f32 v24, v16  }
0x31: {  	v13 =	vimm.f32 $-1.000000000e+00;
	v21 =	vmul.f32 v14, v8;
	v16 =	vmin.f32 v16, v20  }
0x32: {  	s18 =	simm.s32 $0x600;
	v19 =	vmul.f32 v15, v8;
	v20 =	vmul.f32 v15, v7;
	v16 =	vmin.f32 v22, v16  }
.LBB2_2:
0x33: {  	p0 =	sne.s32 s18, $0x1FE00;
	v22 =	vperm.xlane v18, v10;
	v23 =	vperm.xlane v18, v12;
	v13 =	vmax.f32 v13, v16  }
0x34: {  	v16 =	vand.u32 $0x7FFFFFFF, v14;
	v17 =	vadd.f32 v19, v17;
	v18 =	vsub.f32 v20, v21  }
0x35: {  	v15 =	vand.u32 $0x7FFFFFFF, v15;
	v19 =	vsub.f32 v16, v1;
	v14 =	vsub.f32 v22, v11  }
0x36: {  	v16 =	vsub.f32 v2, v16;
	v17 =	vmul.f32 $4.142135680e-01, v17;
	v20 =	vld [tilespmem:s16+$0x8800];
	v21 =	vmul.f32 v18, v5;
	s16 =	smov.u32 s17  }
0x37: {  	v24 =	vsub.f32 v6, v15;
	v22 =	vsub.f32 v15, v3;
	s17 =	sshra.s32 s18, $0x2;
	v15 =	vand.u32 $0x7FFFFFFF, v18  }
.Ltmp0:
0x38: {  	v25 =	vsub.f32 v17, v15;
	v18 =	vld [tilespmem:s17+$0x0];
	v21 =	vadd.f32 v21, v4;
	(pc) =	sbr.rel @p0 .LBB2_2-.Ltmp0, $4  }
0x39: {  	v15 =	vsub.f32 v23, v9;
	v17 =	vmul.f32 v14, v7  }
0x3a: {  	v16 =	vmin.f32 v19, v16;
	v22 =	vmin.f32 v22, v24;
	v21 =	vmin.f32 v25, v21  }
0x3b: {  	v16 =	vmin.f32 v16, v22;
	v19 =	vmul.f32 v15, v8;
	v22 =	vmin.f32 v21, v20  }
0x3c: {  	s18 =	sadd.s32 $0x200, s18;
	v20 =	vmul.f32 v15, v7;
	v21 =	vmul.f32 v14, v8;
	v16 =	vmin.f32 v16, v22  }
0x3d: {  	v10 =	vperm.xlane v18, v10;
	v12 =	vperm.xlane v18, v12  }
0x3e: {  	v17 =	vadd.f32 v19, v17;
	v15 =	vand.u32 $0x7FFFFFFF, v15;
	v18 =	vsub.f32 v20, v21  }
0x3f: {  	v19 =	vsub.f32 v15, v3;
	v15 =	vsub.f32 v6, v15  }
0x40: {  	v14 =	vand.u32 $0x7FFFFFFF, v14;
	v10 =	vsub.f32 v10, v11;
	v9 =	vsub.f32 v12, v9  }
0x41: {  	v11 =	vsub.f32 v14, v1;
	v12 =	vmul.f32 $4.142135680e-01, v17;
	v17 =	vmul.f32 v18, v5  }
0x42: {  	v14 =	vsub.f32 v2, v14;
	v20 =	vmul.f32 v10, v7;
	v21 =	vmul.f32 v9, v8  }
0x43: {  	v18 =	vand.u32 $0x7FFFFFFF, v18;
	v7 =	vmul.f32 v9, v7;
	v8 =	vmul.f32 v10, v8  }
0x44: {  	v12 =	vsub.f32 v12, v18;
	v11 =	vmin.f32 v11, v14;
	v17 =	vadd.f32 v17, v4  }
0x45: {  	v10 =	vand.u32 $0x7FFFFFFF, v10;
	v18 =	vadd.f32 v21, v20;
	v7 =	vsub.f32 v7, v8  }
0x46: {  	v14 =	vld [tilespmem:s16+$0x8800];
	v9 =	vand.u32 $0x7FFFFFFF, v9;
	v1 =	vsub.f32 v10, v1;
	v2 =	vsub.f32 v2, v10  }
0x47: {  	v8 =	vmin.f32 v19, v15;
	v15 =	vld [tilespmem:s17+$0x8800];
	v10 =	vmul.f32 $4.142135680e-01, v18;
	v5 =	vmul.f32 v7, v5  }
0x48: {  	v3 =	vsub.f32 v9, v3;
	v6 =	vsub.f32 v6, v9;
	v7 =	vand.u32 $0x7FFFFFFF, v7  }
0x49: {  	v9 =	vmin.f32 v12, v17;
	v7 =	vsub.f32 v10, v7;
	v4 =	vadd.f32 v5, v4  }
0x4a: {  	v8 =	vmin.f32 v11, v8;
	v1 =	vmin.f32 v1, v2;
	v2 =	vmin.f32 v3, v6  }
0x4b: {  	v1 =	vmin.f32 v1, v2;
	v9 =	vmin.f32 v9, v14;
	v3 =	vmin.f32 v7, v4  }
0x4c: {  	v5 =	vmax.f32 v13, v16;
	v4 =	vmin.f32 v8, v9;
	v2 =	vmin.f32 v3, v15  }
0x4d: {  	v3 =	vmax.f32 v5, v4;
	v1 =	vmin.f32 v1, v2  }
0x4e: {  	v1 =	vmax.f32 v3, v1  }
0x4f: {  	v2 =	vand.u32 $0x80000000, v1;
	vm0 =	vlt.f32 v1, $0.0e+00;
	vm1 =	vgt.f32 v1, $0.0e+00  }
0x50: {  	v3 =	vld [tilespmem:$0x8600];
	v2 =	vor.u32 v2, v0;
	vm0 =	vmor vm1, vm0  }
0x51: {  	v1 =	vsel vm0, v2, v1;
	v2 =	vld [tilespmem:$0x8010]  }
0x52: {  	v4 =	vld [tilespmem:$0x8090];
	v1 =	vadd.f32 $1.000000000e+00, v1;
	_ =	sdelay $0x1  }
0x53: {  	v1 =	vmin.f32 v1, $1.000000000e+00  }
0x54: {  	v1 =	vmul.f32 v3, v1;
	v3 =	vld [tilespmem:$0x0]  }
0x55: {  	v5 =	vld [tilespmem:$0x8110];
	v2 =	vtrunc.f32 v2  }
0x56: {  	s31 =	simm.s32 $0x0;
	[tilespmem:$0x10800] =	vst v1;
	v1 =	vcvt.f32.s32 v2;
	v2 =	vtrunc.f32 v4;
	v4 =	vld [tilespmem:$0x8190]  }
0x57: {  	v2 =	vcvt.f32.s32 v2;
	v6 =	vld [tilespmem:s31+$0x0]  }
0x58: {  	v10 =	vand.u32 $0xF, v1  }
0x59: {  	s16 =	simm.s32 $0x80;
	v7 =	vld [tilespmem:$0x8410];
	v1 =	vperm.xlane v3, v10;
	v12 =	vand.u32 $0xF, v2  }
0x5a: {  	v13 =	vld [tilespmem:s16+$0x0];
	v2 =	vperm.xlane v3, v12  }
0x5b: {  	v8 =	vld [tilespmem:$0x8490];
	v11 =	vadd.f32 v5, v1  }
0x5c: {  	v9 =	vadd.f32 v4, v2;
	v3 =	vperm.xlane v6, v10;
	v4 =	vperm.xlane v6, v12  }
0x5d: {  	v1 =	vld [tilespmem:$0x8210]  }
0x5e: {  	v2 =	vld [tilespmem:$0x8290];
	v14 =	vsub.f32 v3, v11;
	v15 =	vsub.f32 v4, v9  }
0x5f: {  	v6 =	vld [tilespmem:$0x8390];
	v20 =	vperm.xlane v13, v10  }
0x60: {  	v3 =	vld [tilespmem:$0x8310];
	v16 =	vmul.f32 v14, v7;
	v17 =	vmul.f32 v15, v8  }
0x61: {  	v5 =	vld [tilespmem:$0x8590];
	v18 =	vmul.f32 v15, v7;
	v19 =	vmul.f32 v14, v8  }
0x62: {  	v21 =	vperm.xlane v13, v12;
	v13 =	vand.u32 $0x7FFFFFFF, v14;
	v14 =	vsub.f32 v20, v11  }
0x63: {  	v4 =	vld [tilespmem:$0x8510];
	v16 =	vadd.f32 v17, v16;
	v17 =	vsub.f32 v18, v19  }
0x64: {  	v15 =	vand.u32 $0x7FFFFFFF, v15;
	v18 =	vsub.f32 v13, v1;
	v19 =	vsub.f32 v2, v13  }
0x65: {  	v23 =	vsub.f32 v6, v15;
	v22 =	vsub.f32 v15, v3;
	v13 =	vmul.f32 $4.142135680e-01, v16  }
0x66: {  	v20 =	vld [tilespmem:s31+$0x8810];
	v16 =	vmul.f32 v17, v5;
	v15 =	vand.u32 $0x7FFFFFFF, v17;
	v18 =	vmin.f32 v18, v19  }
0x67: {  	s17 =	simm.s32 $0x100;
	v24 =	vsub.f32 v13, v15;
	v15 =	vsub.f32 v21, v9;
	v21 =	vmin.f32 v22, v23  }
0x68: {  	v16 =	vadd.f32 v16, v4;
	v22 =	vmin.f32 v18, v21;
	v18 =	vld [tilespmem:s17+$0x0];
	_ =	sdelay $0x1  }
0x69: {  	v17 =	vmul.f32 v14, v7;
	v16 =	vmin.f32 v24, v16  }
0x6a: {  	v13 =	vimm.f32 $-1.000000000e+00;
	v21 =	vmul.f32 v14, v8;
	v16 =	vmin.f32 v16, v20  }
0x6b: {  	s18 =	simm.s32 $0x600;
	v19 =	vmul.f32 v15, v8;
	v20 =	vmul.f32 v15, v7;
	v16 =	vmin.f32 v22, v16  }
.LBB2_4:
0x6c: {  	p0 =	sne.s32 s18, $0x1FE00;
	v22 =	vperm.xlane v18, v10;
	v23 =	vperm.xlane v18, v12;
	v13 =	vmax.f32 v13, v16  }
0x6d: {  	v16 =	vand.u32 $0x7FFFFFFF, v14;
	v17 =	vadd.f32 v19, v17;
	v18 =	vsub.f32 v20, v21  }
0x6e: {  	v15 =	vand.u32 $0x7FFFFFFF, v15;
	v19 =	vsub.f32 v16, v1;
	v14 =	vsub.f32 v22, v11  }
0x6f: {  	v16 =	vsub.f32 v2, v16;
	v17 =	vmul.f32 $4.142135680e-01, v17;
	v20 =	vld [tilespmem:s16+$0x8810];
	v21 =	vmul.f32 v18, v5;
	s16 =	smov.u32 s17  }
0x70: {  	v24 =	vsub.f32 v6, v15;
	v22 =	vsub.f32 v15, v3;
	s17 =	sshra.s32 s18, $0x2;
	v15 =	vand.u32 $0x7FFFFFFF, v18  }
.Ltmp1:
0x71: {  	v25 =	vsub.f32 v17, v15;
	v18 =	vld [tilespmem:s17+$0x0];
	v21 =	vadd.f32 v21, v4;
	(pc) =	sbr.rel @p0 .LBB2_4-.Ltmp1, $4  }
0x72: {  	v15 =	vsub.f32 v23, v9;
	v17 =	vmul.f32 v14, v7  }
0x73: {  	v16 =	vmin.f32 v19, v16;
	v22 =	vmin.f32 v22, v24;
	v21 =	vmin.f32 v25, v21  }
0x74: {  	v16 =	vmin.f32 v16, v22;
	v19 =	vmul.f32 v15, v8;
	v22 =	vmin.f32 v21, v20  }
0x75: {  	s18 =	sadd.s32 $0x200, s18;
	v20 =	vmul.f32 v15, v7;
	v21 =	vmul.f32 v14, v8;
	v16 =	vmin.f32 v16, v22  }
0x76: {  	v10 =	vperm.xlane v18, v10;
	v12 =	vperm.xlane v18, v12  }
0x77: {  	v17 =	vadd.f32 v19, v17;
	v15 =	vand.u32 $0x7FFFFFFF, v15;
	v18 =	vsub.f32 v20, v21  }
0x78: {  	v19 =	vsub.f32 v15, v3;
	v15 =	vsub.f32 v6, v15  }
0x79: {  	v14 =	vand.u32 $0x7FFFFFFF, v14;
	v10 =	vsub.f32 v10, v11;
	v9 =	vsub.f32 v12, v9  }
0x7a: {  	v11 =	vsub.f32 v14, v1;
	v12 =	vmul.f32 $4.142135680e-01, v17;
	v17 =	vmul.f32 v18, v5  }
0x7b: {  	v14 =	vsub.f32 v2, v14;
	v20 =	vmul.f32 v10, v7;
	v21 =	vmul.f32 v9, v8  }
0x7c: {  	v18 =	vand.u32 $0x7FFFFFFF, v18;
	v7 =	vmul.f32 v9, v7;
	v8 =	vmul.f32 v10, v8  }
0x7d: {  	v12 =	vsub.f32 v12, v18;
	v11 =	vmin.f32 v11, v14;
	v17 =	vadd.f32 v17, v4  }
0x7e: {  	v10 =	vand.u32 $0x7FFFFFFF, v10;
	v18 =	vadd.f32 v21, v20;
	v7 =	vsub.f32 v7, v8  }
0x7f: {  	v14 =	vld [tilespmem:s16+$0x8810];
	v9 =	vand.u32 $0x7FFFFFFF, v9;
	v1 =	vsub.f32 v10, v1;
	v2 =	vsub.f32 v2, v10  }
0x80: {  	v8 =	vmin.f32 v19, v15;
	v15 =	vld [tilespmem:s17+$0x8810];
	v10 =	vmul.f32 $4.142135680e-01, v18;
	v5 =	vmul.f32 v7, v5  }
0x81: {  	v3 =	vsub.f32 v9, v3;
	v6 =	vsub.f32 v6, v9;
	v7 =	vand.u32 $0x7FFFFFFF, v7  }
0x82: {  	v9 =	vmin.f32 v12, v17;
	v7 =	vsub.f32 v10, v7;
	v4 =	vadd.f32 v5, v4  }
0x83: {  	v8 =	vmin.f32 v11, v8;
	v1 =	vmin.f32 v1, v2;
	v2 =	vmin.f32 v3, v6  }
0x84: {  	v1 =	vmin.f32 v1, v2;
	v9 =	vmin.f32 v9, v14;
	v3 =	vmin.f32 v7, v4  }
0x85: {  	v5 =	vmax.f32 v13, v16;
	v4 =	vmin.f32 v8, v9;
	v2 =	vmin.f32 v3, v15  }
0x86: {  	v3 =	vmax.f32 v5, v4;
	v1 =	vmin.f32 v1, v2  }
0x87: {  	v1 =	vmax.f32 v3, v1  }
0x88: {  	v2 =	vand.u32 $0x80000000, v1;
	vm0 =	vlt.f32 v1, $0.0e+00;
	vm1 =	vgt.f32 v1, $0.0e+00  }
0x89: {  	v3 =	vld [tilespmem:$0x8610];
	v2 =	vor.u32 v2, v0;
	vm0 =	vmor vm1, vm0  }
0x8a: {  	v1 =	vsel vm0, v2, v1;
	v2 =	vld [tilespmem:$0x8020]  }
0x8b: {  	v4 =	vld [tilespmem:$0x80A0];
	v1 =	vadd.f32 $1.000000000e+00, v1;
	_ =	sdelay $0x1  }
0x8c: {  	v1 =	vmin.f32 v1, $1.000000000e+00  }
0x8d: {  	v1 =	vmul.f32 v3, v1;
	v3 =	vld [tilespmem:$0x0]  }
0x8e: {  	v5 =	vld [tilespmem:$0x8120];
	v2 =	vtrunc.f32 v2  }
0x8f: {  	s31 =	simm.s32 $0x0;
	[tilespmem:$0x10810] =	vst v1;
	v1 =	vcvt.f32.s32 v2;
	v2 =	vtrunc.f32 v4;
	v4 =	vld [tilespmem:$0x81A0]  }
0x90: {  	v2 =	vcvt.f32.s32 v2;
	v6 =	vld [tilespmem:s31+$0x0]  }
0x91: {  	v10 =	vand.u32 $0xF, v1  }
0x92: {  	s16 =	simm.s32 $0x80;
	v7 =	vld [tilespmem:$0x8420];
	v1 =	vperm.xlane v3, v10;
	v12 =	vand.u32 $0xF, v2  }
0x93: {  	v13 =	vld [tilespmem:s16+$0x0];
	v2 =	vperm.xlane v3, v12  }
0x94: {  	v8 =	vld [tilespmem:$0x84A0];
	v11 =	vadd.f32 v5, v1  }
0x95: {  	v9 =	vadd.f32 v4, v2;
	v3 =	vperm.xlane v6, v10;
	v4 =	vperm.xlane v6, v12  }
0x96: {  	v1 =	vld [tilespmem:$0x8220]  }
0x97: {  	v2 =	vld [tilespmem:$0x82A0];
	v14 =	vsub.f32 v3, v11;
	v15 =	vsub.f32 v4, v9  }
0x98: {  	v6 =	vld [tilespmem:$0x83A0];
	v20 =	vperm.xlane v13, v10  }
0x99: {  	v3 =	vld [tilespmem:$0x8320];
	v16 =	vmul.f32 v14, v7;
	v17 =	vmul.f32 v15, v8  }
0x9a: {  	v5 =	vld [tilespmem:$0x85A0];
	v18 =	vmul.f32 v15, v7;
	v19 =	vmul.f32 v14, v8  }
0x9b: {  	v21 =	vperm.xlane v13, v12;
	v13 =	vand.u32 $0x7FFFFFFF, v14;
	v14 =	vsub.f32 v20, v11  }
0x9c: {  	v4 =	vld [tilespmem:$0x8520];
	v16 =	vadd.f32 v17, v16;
	v17 =	vsub.f32 v18, v19  }
0x9d: {  	v15 =	vand.u32 $0x7FFFFFFF, v15;
	v18 =	vsub.f32 v13, v1;
	v19 =	vsub.f32 v2, v13  }
0x9e: {  	v23 =	vsub.f32 v6, v15;
	v22 =	vsub.f32 v15, v3;
	v13 =	vmul.f32 $4.142135680e-01, v16  }
0x9f: {  	v20 =	vld [tilespmem:s31+$0x8820];
	v16 =	vmul.f32 v17, v5;
	v15 =	vand.u32 $0x7FFFFFFF, v17;
	v18 =	vmin.f32 v18, v19  }
0xa0: {  	s17 =	simm.s32 $0x100;
	v24 =	vsub.f32 v13, v15;
	v15 =	vsub.f32 v21, v9;
	v21 =	vmin.f32 v22, v23  }
0xa1: {  	v16 =	vadd.f32 v16, v4;
	v22 =	vmin.f32 v18, v21;
	v18 =	vld [tilespmem:s17+$0x0];
	_ =	sdelay $0x1  }
0xa2: {  	v17 =	vmul.f32 v14, v7;
	v16 =	vmin.f32 v24, v16  }
0xa3: {  	v13 =	vimm.f32 $-1.000000000e+00;
	v21 =	vmul.f32 v14, v8;
	v16 =	vmin.f32 v16, v20  }
0xa4: {  	s18 =	simm.s32 $0x600;
	v19 =	vmul.f32 v15, v8;
	v20 =	vmul.f32 v15, v7;
	v16 =	vmin.f32 v22, v16  }
.LBB2_6:
0xa5: {  	p0 =	sne.s32 s18, $0x1FE00;
	v22 =	vperm.xlane v18, v10;
	v23 =	vperm.xlane v18, v12;
	v13 =	vmax.f32 v13, v16  }
0xa6: {  	v16 =	vand.u32 $0x7FFFFFFF, v14;
	v17 =	vadd.f32 v19, v17;
	v18 =	vsub.f32 v20, v21  }
0xa7: {  	v15 =	vand.u32 $0x7FFFFFFF, v15;
	v19 =	vsub.f32 v16, v1;
	v14 =	vsub.f32 v22, v11  }
0xa8: {  	v16 =	vsub.f32 v2, v16;
	v17 =	vmul.f32 $4.142135680e-01, v17;
	v20 =	vld [tilespmem:s16+$0x8820];
	v21 =	vmul.f32 v18, v5;
	s16 =	smov.u32 s17  }
0xa9: {  	v24 =	vsub.f32 v6, v15;
	v22 =	vsub.f32 v15, v3;
	s17 =	sshra.s32 s18, $0x2;
	v15 =	vand.u32 $0x7FFFFFFF, v18  }
.Ltmp2:
0xaa: {  	v25 =	vsub.f32 v17, v15;
	v18 =	vld [tilespmem:s17+$0x0];
	v21 =	vadd.f32 v21, v4;
	(pc) =	sbr.rel @p0 .LBB2_6-.Ltmp2, $4  }
0xab: {  	v15 =	vsub.f32 v23, v9;
	v17 =	vmul.f32 v14, v7  }
0xac: {  	v16 =	vmin.f32 v19, v16;
	v22 =	vmin.f32 v22, v24;
	v21 =	vmin.f32 v25, v21  }
0xad: {  	v16 =	vmin.f32 v16, v22;
	v19 =	vmul.f32 v15, v8;
	v22 =	vmin.f32 v21, v20  }
0xae: {  	s18 =	sadd.s32 $0x200, s18;
	v20 =	vmul.f32 v15, v7;
	v21 =	vmul.f32 v14, v8;
	v16 =	vmin.f32 v16, v22  }
0xaf: {  	v10 =	vperm.xlane v18, v10;
	v12 =	vperm.xlane v18, v12  }
0xb0: {  	v17 =	vadd.f32 v19, v17;
	v15 =	vand.u32 $0x7FFFFFFF, v15;
	v18 =	vsub.f32 v20, v21  }
0xb1: {  	v19 =	vsub.f32 v15, v3;
	v15 =	vsub.f32 v6, v15  }
0xb2: {  	v14 =	vand.u32 $0x7FFFFFFF, v14;
	v10 =	vsub.f32 v10, v11;
	v9 =	vsub.f32 v12, v9  }
0xb3: {  	v11 =	vsub.f32 v14, v1;
	v12 =	vmul.f32 $4.142135680e-01, v17;
	v17 =	vmul.f32 v18, v5  }
0xb4: {  	v14 =	vsub.f32 v2, v14;
	v20 =	vmul.f32 v10, v7;
	v21 =	vmul.f32 v9, v8  }
0xb5: {  	v18 =	vand.u32 $0x7FFFFFFF, v18;
	v7 =	vmul.f32 v9, v7;
	v8 =	vmul.f32 v10, v8  }
0xb6: {  	v12 =	vsub.f32 v12, v18;
	v11 =	vmin.f32 v11, v14;
	v17 =	vadd.f32 v17, v4  }
0xb7: {  	v10 =	vand.u32 $0x7FFFFFFF, v10;
	v18 =	vadd.f32 v21, v20;
	v7 =	vsub.f32 v7, v8  }
0xb8: {  	v14 =	vld [tilespmem:s16+$0x8820];
	v9 =	vand.u32 $0x7FFFFFFF, v9;
	v1 =	vsub.f32 v10, v1;
	v2 =	vsub.f32 v2, v10  }
0xb9: {  	v8 =	vmin.f32 v19, v15;
	v15 =	vld [tilespmem:s17+$0x8820];
	v10 =	vmul.f32 $4.142135680e-01, v18;
	v5 =	vmul.f32 v7, v5  }
0xba: {  	v3 =	vsub.f32 v9, v3;
	v6 =	vsub.f32 v6, v9;
	v7 =	vand.u32 $0x7FFFFFFF, v7  }
0xbb: {  	v9 =	vmin.f32 v12, v17;
	v7 =	vsub.f32 v10, v7;
	v4 =	vadd.f32 v5, v4  }
0xbc: {  	v8 =	vmin.f32 v11, v8;
	v1 =	vmin.f32 v1, v2;
	v2 =	vmin.f32 v3, v6  }
0xbd: {  	v1 =	vmin.f32 v1, v2;
	v9 =	vmin.f32 v9, v14;
	v3 =	vmin.f32 v7, v4  }
0xbe: {  	v5 =	vmax.f32 v13, v16;
	v4 =	vmin.f32 v8, v9;
	v2 =	vmin.f32 v3, v15  }
0xbf: {  	v3 =	vmax.f32 v5, v4;
	v1 =	vmin.f32 v1, v2  }
0xc0: {  	v1 =	vmax.f32 v3, v1  }
0xc1: {  	v2 =	vand.u32 $0x80000000, v1;
	vm0 =	vlt.f32 v1, $0.0e+00;
	vm1 =	vgt.f32 v1, $0.0e+00  }
0xc2: {  	v3 =	vld [tilespmem:$0x8620];
	v2 =	vor.u32 v2, v0;
	vm0 =	vmor vm1, vm0  }
0xc3: {  	v1 =	vsel vm0, v2, v1;
	v2 =	vld [tilespmem:$0x8030]  }
0xc4: {  	v4 =	vld [tilespmem:$0x80B0];
	v1 =	vadd.f32 $1.000000000e+00, v1;
	_ =	sdelay $0x1  }
0xc5: {  	v1 =	vmin.f32 v1, $1.000000000e+00  }
0xc6: {  	v1 =	vmul.f32 v3, v1;
	v3 =	vld [tilespmem:$0x0]  }
0xc7: {  	v5 =	vld [tilespmem:$0x8130];
	v2 =	vtrunc.f32 v2  }
0xc8: {  	s31 =	simm.s32 $0x0;
	[tilespmem:$0x10820] =	vst v1;
	v1 =	vcvt.f32.s32 v2;
	v2 =	vtrunc.f32 v4;
	v4 =	vld [tilespmem:$0x81B0]  }
0xc9: {  	v2 =	vcvt.f32.s32 v2;
	v6 =	vld [tilespmem:s31+$0x0]  }
0xca: {  	v10 =	vand.u32 $0xF, v1  }
0xcb: {  	s16 =	simm.s32 $0x80;
	v7 =	vld [tilespmem:$0x8430];
	v1 =	vperm.xlane v3, v10;
	v12 =	vand.u32 $0xF, v2  }
0xcc: {  	v13 =	vld [tilespmem:s16+$0x0];
	v2 =	vperm.xlane v3, v12  }
0xcd: {  	v8 =	vld [tilespmem:$0x84B0];
	v11 =	vadd.f32 v5, v1  }
0xce: {  	v9 =	vadd.f32 v4, v2;
	v3 =	vperm.xlane v6, v10;
	v4 =	vperm.xlane v6, v12  }
0xcf: {  	v1 =	vld [tilespmem:$0x8230]  }
0xd0: {  	v2 =	vld [tilespmem:$0x82B0];
	v14 =	vsub.f32 v3, v11;
	v15 =	vsub.f32 v4, v9  }
0xd1: {  	v6 =	vld [tilespmem:$0x83B0];
	v20 =	vperm.xlane v13, v10  }
0xd2: {  	v3 =	vld [tilespmem:$0x8330];
	v16 =	vmul.f32 v14, v7;
	v17 =	vmul.f32 v15, v8  }
0xd3: {  	v5 =	vld [tilespmem:$0x85B0];
	v18 =	vmul.f32 v15, v7;
	v19 =	vmul.f32 v14, v8  }
0xd4: {  	v21 =	vperm.xlane v13, v12;
	v13 =	vand.u32 $0x7FFFFFFF, v14;
	v14 =	vsub.f32 v20, v11  }
0xd5: {  	v4 =	vld [tilespmem:$0x8530];
	v16 =	vadd.f32 v17, v16;
	v17 =	vsub.f32 v18, v19  }
0xd6: {  	v15 =	vand.u32 $0x7FFFFFFF, v15;
	v18 =	vsub.f32 v13, v1;
	v19 =	vsub.f32 v2, v13  }
0xd7: {  	v23 =	vsub.f32 v6, v15;
	v22 =	vsub.f32 v15, v3;
	v13 =	vmul.f32 $4.142135680e-01, v16  }
0xd8: {  	v20 =	vld [tilespmem:s31+$0x8830];
	v16 =	vmul.f32 v17, v5;
	v15 =	vand.u32 $0x7FFFFFFF, v17;
	v18 =	vmin.f32 v18, v19  }
0xd9: {  	s17 =	simm.s32 $0x100;
	v24 =	vsub.f32 v13, v15;
	v15 =	vsub.f32 v21, v9;
	v21 =	vmin.f32 v22, v23  }
0xda: {  	v16 =	vadd.f32 v16, v4;
	v22 =	vmin.f32 v18, v21;
	v18 =	vld [tilespmem:s17+$0x0];
	_ =	sdelay $0x1  }
0xdb: {  	v17 =	vmul.f32 v14, v7;
	v16 =	vmin.f32 v24, v16  }
0xdc: {  	v13 =	vimm.f32 $-1.000000000e+00;
	v21 =	vmul.f32 v14, v8;
	v16 =	vmin.f32 v16, v20  }
0xdd: {  	s18 =	simm.s32 $0x600;
	v19 =	vmul.f32 v15, v8;
	v20 =	vmul.f32 v15, v7;
	v16 =	vmin.f32 v22, v16  }
.LBB2_8:
0xde: {  	p0 =	sne.s32 s18, $0x1FE00;
	v22 =	vperm.xlane v18, v10;
	v23 =	vperm.xlane v18, v12;
	v13 =	vmax.f32 v13, v16  }
0xdf: {  	v16 =	vand.u32 $0x7FFFFFFF, v14;
	v17 =	vadd.f32 v19, v17;
	v18 =	vsub.f32 v20, v21  }
0xe0: {  	v15 =	vand.u32 $0x7FFFFFFF, v15;
	v19 =	vsub.f32 v16, v1;
	v14 =	vsub.f32 v22, v11  }
0xe1: {  	v16 =	vsub.f32 v2, v16;
	v17 =	vmul.f32 $4.142135680e-01, v17;
	v20 =	vld [tilespmem:s16+$0x8830];
	v21 =	vmul.f32 v18, v5;
	s16 =	smov.u32 s17  }
0xe2: {  	v24 =	vsub.f32 v6, v15;
	v22 =	vsub.f32 v15, v3;
	s17 =	sshra.s32 s18, $0x2;
	v15 =	vand.u32 $0x7FFFFFFF, v18  }
.Ltmp3:
0xe3: {  	v25 =	vsub.f32 v17, v15;
	v18 =	vld [tilespmem:s17+$0x0];
	v21 =	vadd.f32 v21, v4;
	(pc) =	sbr.rel @p0 .LBB2_8-.Ltmp3, $4  }
0xe4: {  	v15 =	vsub.f32 v23, v9;
	v17 =	vmul.f32 v14, v7  }
0xe5: {  	v16 =	vmin.f32 v19, v16;
	v22 =	vmin.f32 v22, v24;
	v21 =	vmin.f32 v25, v21  }
0xe6: {  	v16 =	vmin.f32 v16, v22;
	v19 =	vmul.f32 v15, v8;
	v22 =	vmin.f32 v21, v20  }
0xe7: {  	s18 =	sadd.s32 $0x200, s18;
	v20 =	vmul.f32 v15, v7;
	v21 =	vmul.f32 v14, v8;
	v16 =	vmin.f32 v16, v22  }
0xe8: {  	v10 =	vperm.xlane v18, v10;
	v12 =	vperm.xlane v18, v12  }
0xe9: {  	v17 =	vadd.f32 v19, v17;
	v15 =	vand.u32 $0x7FFFFFFF, v15;
	v18 =	vsub.f32 v20, v21  }
0xea: {  	v19 =	vsub.f32 v15, v3;
	v15 =	vsub.f32 v6, v15  }
0xeb: {  	v14 =	vand.u32 $0x7FFFFFFF, v14;
	v10 =	vsub.f32 v10, v11;
	v9 =	vsub.f32 v12, v9  }
0xec: {  	v11 =	vsub.f32 v14, v1;
	v12 =	vmul.f32 $4.142135680e-01, v17;
	v17 =	vmul.f32 v18, v5  }
0xed: {  	v14 =	vsub.f32 v2, v14;
	v20 =	vmul.f32 v10, v7;
	v21 =	vmul.f32 v9, v8  }
0xee: {  	v18 =	vand.u32 $0x7FFFFFFF, v18;
	v7 =	vmul.f32 v9, v7;
	v8 =	vmul.f32 v10, v8  }
0xef: {  	v12 =	vsub.f32 v12, v18;
	v11 =	vmin.f32 v11, v14;
	v17 =	vadd.f32 v17, v4  }
0xf0: {  	v10 =	vand.u32 $0x7FFFFFFF, v10;
	v18 =	vadd.f32 v21, v20;
	v7 =	vsub.f32 v7, v8  }
0xf1: {  	v14 =	vld [tilespmem:s16+$0x8830];
	v9 =	vand.u32 $0x7FFFFFFF, v9;
	v1 =	vsub.f32 v10, v1;
	v2 =	vsub.f32 v2, v10  }
0xf2: {  	v8 =	vmin.f32 v19, v15;
	v15 =	vld [tilespmem:s17+$0x8830];
	v10 =	vmul.f32 $4.142135680e-01, v18;
	v5 =	vmul.f32 v7, v5  }
0xf3: {  	v3 =	vsub.f32 v9, v3;
	v6 =	vsub.f32 v6, v9;
	v7 =	vand.u32 $0x7FFFFFFF, v7  }
0xf4: {  	v9 =	vmin.f32 v12, v17;
	v7 =	vsub.f32 v10, v7;
	v4 =	vadd.f32 v5, v4  }
0xf5: {  	v8 =	vmin.f32 v11, v8;
	v1 =	vmin.f32 v1, v2;
	v2 =	vmin.f32 v3, v6  }
0xf6: {  	v1 =	vmin.f32 v1, v2;
	v9 =	vmin.f32 v9, v14;
	v3 =	vmin.f32 v7, v4  }
0xf7: {  	v5 =	vmax.f32 v13, v16;
	v4 =	vmin.f32 v8, v9;
	v2 =	vmin.f32 v3, v15  }
0xf8: {  	v3 =	vmax.f32 v5, v4;
	v1 =	vmin.f32 v1, v2  }
0xf9: {  	v1 =	vmax.f32 v3, v1  }
0xfa: {  	v2 =	vand.u32 $0x80000000, v1;
	vm0 =	vlt.f32 v1, $0.0e+00;
	vm1 =	vgt.f32 v1, $0.0e+00  }
0xfb: {  	v3 =	vld [tilespmem:$0x8630];
	v2 =	vor.u32 v2, v0;
	vm0 =	vmor vm1, vm0  }
0xfc: {  	v1 =	vsel vm0, v2, v1;
	v2 =	vld [tilespmem:$0x8040]  }
0xfd: {  	v4 =	vld [tilespmem:$0x80C0];
	v1 =	vadd.f32 $1.000000000e+00, v1;
	_ =	sdelay $0x1  }
0xfe: {  	v1 =	vmin.f32 v1, $1.000000000e+00  }
0xff: {  	v1 =	vmul.f32 v3, v1;
	v3 =	vld [tilespmem:$0x0]  }
0x100: {  	v5 =	vld [tilespmem:$0x8140];
	v2 =	vtrunc.f32 v2  }
0x101: {  	s31 =	simm.s32 $0x0;
	[tilespmem:$0x10830] =	vst v1;
	v1 =	vcvt.f32.s32 v2;
	v2 =	vtrunc.f32 v4;
	v4 =	vld [tilespmem:$0x81C0]  }
0x102: {  	v2 =	vcvt.f32.s32 v2;
	v6 =	vld [tilespmem:s31+$0x0]  }
0x103: {  	v10 =	vand.u32 $0xF, v1  }
0x104: {  	s16 =	simm.s32 $0x80;
	v7 =	vld [tilespmem:$0x8440];
	v1 =	vperm.xlane v3, v10;
	v12 =	vand.u32 $0xF, v2  }
0x105: {  	v13 =	vld [tilespmem:s16+$0x0];
	v2 =	vperm.xlane v3, v12  }
0x106: {  	v8 =	vld [tilespmem:$0x84C0];
	v11 =	vadd.f32 v5, v1  }
0x107: {  	v9 =	vadd.f32 v4, v2;
	v3 =	vperm.xlane v6, v10;
	v4 =	vperm.xlane v6, v12  }
0x108: {  	v1 =	vld [tilespmem:$0x8240]  }
0x109: {  	v2 =	vld [tilespmem:$0x82C0];
	v14 =	vsub.f32 v3, v11;
	v15 =	vsub.f32 v4, v9  }
0x10a: {  	v6 =	vld [tilespmem:$0x83C0];
	v20 =	vperm.xlane v13, v10  }
0x10b: {  	v3 =	vld [tilespmem:$0x8340];
	v16 =	vmul.f32 v14, v7;
	v17 =	vmul.f32 v15, v8  }
0x10c: {  	v5 =	vld [tilespmem:$0x85C0];
	v18 =	vmul.f32 v15, v7;
	v19 =	vmul.f32 v14, v8  }
0x10d: {  	v21 =	vperm.xlane v13, v12;
	v13 =	vand.u32 $0x7FFFFFFF, v14;
	v14 =	vsub.f32 v20, v11  }
0x10e: {  	v4 =	vld [tilespmem:$0x8540];
	v16 =	vadd.f32 v17, v16;
	v17 =	vsub.f32 v18, v19  }
0x10f: {  	v15 =	vand.u32 $0x7FFFFFFF, v15;
	v18 =	vsub.f32 v13, v1;
	v19 =	vsub.f32 v2, v13  }
0x110: {  	v23 =	vsub.f32 v6, v15;
	v22 =	vsub.f32 v15, v3;
	v13 =	vmul.f32 $4.142135680e-01, v16  }
0x111: {  	v20 =	vld [tilespmem:s31+$0x8840];
	v16 =	vmul.f32 v17, v5;
	v15 =	vand.u32 $0x7FFFFFFF, v17;
	v18 =	vmin.f32 v18, v19  }
0x112: {  	s17 =	simm.s32 $0x100;
	v24 =	vsub.f32 v13, v15;
	v15 =	vsub.f32 v21, v9;
	v21 =	vmin.f32 v22, v23  }
0x113: {  	v16 =	vadd.f32 v16, v4;
	v22 =	vmin.f32 v18, v21;
	v18 =	vld [tilespmem:s17+$0x0];
	_ =	sdelay $0x1  }
0x114: {  	v17 =	vmul.f32 v14, v7;
	v16 =	vmin.f32 v24, v16  }
0x115: {  	v13 =	vimm.f32 $-1.000000000e+00;
	v21 =	vmul.f32 v14, v8;
	v16 =	vmin.f32 v16, v20  }
0x116: {  	s18 =	simm.s32 $0x600;
	v19 =	vmul.f32 v15, v8;
	v20 =	vmul.f32 v15, v7;
	v16 =	vmin.f32 v22, v16  }
.LBB2_10:
0x117: {  	p0 =	sne.s32 s18, $0x1FE00;
	v22 =	vperm.xlane v18, v10;
	v23 =	vperm.xlane v18, v12;
	v13 =	vmax.f32 v13, v16  }
0x118: {  	v16 =	vand.u32 $0x7FFFFFFF, v14;
	v17 =	vadd.f32 v19, v17;
	v18 =	vsub.f32 v20, v21  }
0x119: {  	v15 =	vand.u32 $0x7FFFFFFF, v15;
	v19 =	vsub.f32 v16, v1;
	v14 =	vsub.f32 v22, v11  }
0x11a: {  	v16 =	vsub.f32 v2, v16;
	v17 =	vmul.f32 $4.142135680e-01, v17;
	v20 =	vld [tilespmem:s16+$0x8840];
	v21 =	vmul.f32 v18, v5;
	s16 =	smov.u32 s17  }
0x11b: {  	v24 =	vsub.f32 v6, v15;
	v22 =	vsub.f32 v15, v3;
	s17 =	sshra.s32 s18, $0x2;
	v15 =	vand.u32 $0x7FFFFFFF, v18  }
.Ltmp4:
0x11c: {  	v25 =	vsub.f32 v17, v15;
	v18 =	vld [tilespmem:s17+$0x0];
	v21 =	vadd.f32 v21, v4;
	(pc) =	sbr.rel @p0 .LBB2_10-.Ltmp4, $4  }
0x11d: {  	v15 =	vsub.f32 v23, v9;
	v17 =	vmul.f32 v14, v7  }
0x11e: {  	v16 =	vmin.f32 v19, v16;
	v22 =	vmin.f32 v22, v24;
	v21 =	vmin.f32 v25, v21  }
0x11f: {  	v16 =	vmin.f32 v16, v22;
	v19 =	vmul.f32 v15, v8;
	v22 =	vmin.f32 v21, v20  }
0x120: {  	s18 =	sadd.s32 $0x200, s18;
	v20 =	vmul.f32 v15, v7;
	v21 =	vmul.f32 v14, v8;
	v16 =	vmin.f32 v16, v22  }
0x121: {  	v10 =	vperm.xlane v18, v10;
	v12 =	vperm.xlane v18, v12  }
0x122: {  	v17 =	vadd.f32 v19, v17;
	v15 =	vand.u32 $0x7FFFFFFF, v15;
	v18 =	vsub.f32 v20, v21  }
0x123: {  	v19 =	vsub.f32 v15, v3;
	v15 =	vsub.f32 v6, v15  }
0x124: {  	v14 =	vand.u32 $0x7FFFFFFF, v14;
	v10 =	vsub.f32 v10, v11;
	v9 =	vsub.f32 v12, v9  }
0x125: {  	v11 =	vsub.f32 v14, v1;
	v12 =	vmul.f32 $4.142135680e-01, v17;
	v17 =	vmul.f32 v18, v5  }
0x126: {  	v14 =	vsub.f32 v2, v14;
	v20 =	vmul.f32 v10, v7;
	v21 =	vmul.f32 v9, v8  }
0x127: {  	v18 =	vand.u32 $0x7FFFFFFF, v18;
	v7 =	vmul.f32 v9, v7;
	v8 =	vmul.f32 v10, v8  }
0x128: {  	v12 =	vsub.f32 v12, v18;
	v11 =	vmin.f32 v11, v14;
	v17 =	vadd.f32 v17, v4  }
0x129: {  	v10 =	vand.u32 $0x7FFFFFFF, v10;
	v18 =	vadd.f32 v21, v20;
	v7 =	vsub.f32 v7, v8  }
0x12a: {  	v14 =	vld [tilespmem:s16+$0x8840];
	v9 =	vand.u32 $0x7FFFFFFF, v9;
	v1 =	vsub.f32 v10, v1;
	v2 =	vsub.f32 v2, v10  }
0x12b: {  	v8 =	vmin.f32 v19, v15;
	v15 =	vld [tilespmem:s17+$0x8840];
	v10 =	vmul.f32 $4.142135680e-01, v18;
	v5 =	vmul.f32 v7, v5  }
0x12c: {  	v3 =	vsub.f32 v9, v3;
	v6 =	vsub.f32 v6, v9;
	v7 =	vand.u32 $0x7FFFFFFF, v7  }
0x12d: {  	v9 =	vmin.f32 v12, v17;
	v7 =	vsub.f32 v10, v7;
	v4 =	vadd.f32 v5, v4  }
0x12e: {  	v8 =	vmin.f32 v11, v8;
	v1 =	vmin.f32 v1, v2;
	v2 =	vmin.f32 v3, v6  }
0x12f: {  	v1 =	vmin.f32 v1, v2;
	v9 =	vmin.f32 v9, v14;
	v3 =	vmin.f32 v7, v4  }
0x130: {  	v5 =	vmax.f32 v13, v16;
	v4 =	vmin.f32 v8, v9;
	v2 =	vmin.f32 v3, v15  }
0x131: {  	v3 =	vmax.f32 v5, v4;
	v1 =	vmin.f32 v1, v2  }
0x132: {  	v1 =	vmax.f32 v3, v1  }
0x133: {  	v2 =	vand.u32 $0x80000000, v1;
	vm0 =	vlt.f32 v1, $0.0e+00;
	vm1 =	vgt.f32 v1, $0.0e+00  }
0x134: {  	v3 =	vld [tilespmem:$0x8640];
	v2 =	vor.u32 v2, v0;
	vm0 =	vmor vm1, vm0  }
0x135: {  	v1 =	vsel vm0, v2, v1;
	v2 =	vld [tilespmem:$0x8050]  }
0x136: {  	v4 =	vld [tilespmem:$0x80D0];
	v1 =	vadd.f32 $1.000000000e+00, v1;
	_ =	sdelay $0x1  }
0x137: {  	v1 =	vmin.f32 v1, $1.000000000e+00  }
0x138: {  	v1 =	vmul.f32 v3, v1;
	v3 =	vld [tilespmem:$0x0]  }
0x139: {  	v5 =	vld [tilespmem:$0x8150];
	v2 =	vtrunc.f32 v2  }
0x13a: {  	s31 =	simm.s32 $0x0;
	[tilespmem:$0x10840] =	vst v1;
	v1 =	vcvt.f32.s32 v2;
	v2 =	vtrunc.f32 v4;
	v4 =	vld [tilespmem:$0x81D0]  }
0x13b: {  	v2 =	vcvt.f32.s32 v2;
	v6 =	vld [tilespmem:s31+$0x0]  }
0x13c: {  	v10 =	vand.u32 $0xF, v1  }
0x13d: {  	s16 =	simm.s32 $0x80;
	v7 =	vld [tilespmem:$0x8450];
	v1 =	vperm.xlane v3, v10;
	v12 =	vand.u32 $0xF, v2  }
0x13e: {  	v13 =	vld [tilespmem:s16+$0x0];
	v2 =	vperm.xlane v3, v12  }
0x13f: {  	v8 =	vld [tilespmem:$0x84D0];
	v11 =	vadd.f32 v5, v1  }
0x140: {  	v9 =	vadd.f32 v4, v2;
	v3 =	vperm.xlane v6, v10;
	v4 =	vperm.xlane v6, v12  }
0x141: {  	v1 =	vld [tilespmem:$0x8250]  }
0x142: {  	v2 =	vld [tilespmem:$0x82D0];
	v14 =	vsub.f32 v3, v11;
	v15 =	vsub.f32 v4, v9  }
0x143: {  	v6 =	vld [tilespmem:$0x83D0];
	v20 =	vperm.xlane v13, v10  }
0x144: {  	v3 =	vld [tilespmem:$0x8350];
	v16 =	vmul.f32 v14, v7;
	v17 =	vmul.f32 v15, v8  }
0x145: {  	v5 =	vld [tilespmem:$0x85D0];
	v18 =	vmul.f32 v15, v7;
	v19 =	vmul.f32 v14, v8  }
0x146: {  	v21 =	vperm.xlane v13, v12;
	v13 =	vand.u32 $0x7FFFFFFF, v14;
	v14 =	vsub.f32 v20, v11  }
0x147: {  	v4 =	vld [tilespmem:$0x8550];
	v16 =	vadd.f32 v17, v16;
	v17 =	vsub.f32 v18, v19  }
0x148: {  	v15 =	vand.u32 $0x7FFFFFFF, v15;
	v18 =	vsub.f32 v13, v1;
	v19 =	vsub.f32 v2, v13  }
0x149: {  	v23 =	vsub.f32 v6, v15;
	v22 =	vsub.f32 v15, v3;
	v13 =	vmul.f32 $4.142135680e-01, v16  }
0x14a: {  	v20 =	vld [tilespmem:s31+$0x8850];
	v16 =	vmul.f32 v17, v5;
	v15 =	vand.u32 $0x7FFFFFFF, v17;
	v18 =	vmin.f32 v18, v19  }
0x14b: {  	s17 =	simm.s32 $0x100;
	v24 =	vsub.f32 v13, v15;
	v15 =	vsub.f32 v21, v9;
	v21 =	vmin.f32 v22, v23  }
0x14c: {  	v16 =	vadd.f32 v16, v4;
	v22 =	vmin.f32 v18, v21;
	v18 =	vld [tilespmem:s17+$0x0];
	_ =	sdelay $0x1  }
0x14d: {  	v17 =	vmul.f32 v14, v7;
	v16 =	vmin.f32 v24, v16  }
0x14e: {  	v13 =	vimm.f32 $-1.000000000e+00;
	v21 =	vmul.f32 v14, v8;
	v16 =	vmin.f32 v16, v20  }
0x14f: {  	s18 =	simm.s32 $0x600;
	v19 =	vmul.f32 v15, v8;
	v20 =	vmul.f32 v15, v7;
	v16 =	vmin.f32 v22, v16  }
.LBB2_12:
0x150: {  	p0 =	sne.s32 s18, $0x1FE00;
	v22 =	vperm.xlane v18, v10;
	v23 =	vperm.xlane v18, v12;
	v13 =	vmax.f32 v13, v16  }
0x151: {  	v16 =	vand.u32 $0x7FFFFFFF, v14;
	v17 =	vadd.f32 v19, v17;
	v18 =	vsub.f32 v20, v21  }
0x152: {  	v15 =	vand.u32 $0x7FFFFFFF, v15;
	v19 =	vsub.f32 v16, v1;
	v14 =	vsub.f32 v22, v11  }
0x153: {  	v16 =	vsub.f32 v2, v16;
	v17 =	vmul.f32 $4.142135680e-01, v17;
	v20 =	vld [tilespmem:s16+$0x8850];
	v21 =	vmul.f32 v18, v5;
	s16 =	smov.u32 s17  }
0x154: {  	v24 =	vsub.f32 v6, v15;
	v22 =	vsub.f32 v15, v3;
	s17 =	sshra.s32 s18, $0x2;
	v15 =	vand.u32 $0x7FFFFFFF, v18  }
.Ltmp5:
0x155: {  	v25 =	vsub.f32 v17, v15;
	v18 =	vld [tilespmem:s17+$0x0];
	v21 =	vadd.f32 v21, v4;
	(pc) =	sbr.rel @p0 .LBB2_12-.Ltmp5, $4  }
0x156: {  	v15 =	vsub.f32 v23, v9;
	v17 =	vmul.f32 v14, v7  }
0x157: {  	v16 =	vmin.f32 v19, v16;
	v22 =	vmin.f32 v22, v24;
	v21 =	vmin.f32 v25, v21  }
0x158: {  	v16 =	vmin.f32 v16, v22;
	v19 =	vmul.f32 v15, v8;
	v22 =	vmin.f32 v21, v20  }
0x159: {  	s18 =	sadd.s32 $0x200, s18;
	v20 =	vmul.f32 v15, v7;
	v21 =	vmul.f32 v14, v8;
	v16 =	vmin.f32 v16, v22  }
0x15a: {  	v10 =	vperm.xlane v18, v10;
	v12 =	vperm.xlane v18, v12  }
0x15b: {  	v17 =	vadd.f32 v19, v17;
	v15 =	vand.u32 $0x7FFFFFFF, v15;
	v18 =	vsub.f32 v20, v21  }
0x15c: {  	v19 =	vsub.f32 v15, v3;
	v15 =	vsub.f32 v6, v15  }
0x15d: {  	v14 =	vand.u32 $0x7FFFFFFF, v14;
	v10 =	vsub.f32 v10, v11;
	v9 =	vsub.f32 v12, v9  }
0x15e: {  	v11 =	vsub.f32 v14, v1;
	v12 =	vmul.f32 $4.142135680e-01, v17;
	v17 =	vmul.f32 v18, v5  }
0x15f: {  	v14 =	vsub.f32 v2, v14;
	v20 =	vmul.f32 v10, v7;
	v21 =	vmul.f32 v9, v8  }
0x160: {  	v18 =	vand.u32 $0x7FFFFFFF, v18;
	v7 =	vmul.f32 v9, v7;
	v8 =	vmul.f32 v10, v8  }
0x161: {  	v12 =	vsub.f32 v12, v18;
	v11 =	vmin.f32 v11, v14;
	v17 =	vadd.f32 v17, v4  }
0x162: {  	v10 =	vand.u32 $0x7FFFFFFF, v10;
	v18 =	vadd.f32 v21, v20;
	v7 =	vsub.f32 v7, v8  }
0x163: {  	v14 =	vld [tilespmem:s16+$0x8850];
	v9 =	vand.u32 $0x7FFFFFFF, v9;
	v1 =	vsub.f32 v10, v1;
	v2 =	vsub.f32 v2, v10  }
0x164: {  	v8 =	vmin.f32 v19, v15;
	v15 =	vld [tilespmem:s17+$0x8850];
	v10 =	vmul.f32 $4.142135680e-01, v18;
	v5 =	vmul.f32 v7, v5  }
0x165: {  	v3 =	vsub.f32 v9, v3;
	v6 =	vsub.f32 v6, v9;
	v7 =	vand.u32 $0x7FFFFFFF, v7  }
0x166: {  	v9 =	vmin.f32 v12, v17;
	v7 =	vsub.f32 v10, v7;
	v4 =	vadd.f32 v5, v4  }
0x167: {  	v8 =	vmin.f32 v11, v8;
	v1 =	vmin.f32 v1, v2;
	v2 =	vmin.f32 v3, v6  }
0x168: {  	v1 =	vmin.f32 v1, v2;
	v9 =	vmin.f32 v9, v14;
	v3 =	vmin.f32 v7, v4  }
0x169: {  	v5 =	vmax.f32 v13, v16;
	v4 =	vmin.f32 v8, v9;
	v2 =	vmin.f32 v3, v15  }
0x16a: {  	v3 =	vmax.f32 v5, v4;
	v1 =	vmin.f32 v1, v2  }
0x16b: {  	v1 =	vmax.f32 v3, v1  }
0x16c: {  	v2 =	vand.u32 $0x80000000, v1;
	vm0 =	vlt.f32 v1, $0.0e+00;
	vm1 =	vgt.f32 v1, $0.0e+00  }
0x16d: {  	v3 =	vld [tilespmem:$0x8650];
	v2 =	vor.u32 v2, v0;
	vm0 =	vmor vm1, vm0  }
0x16e: {  	v1 =	vsel vm0, v2, v1;
	v2 =	vld [tilespmem:$0x8060]  }
0x16f: {  	v4 =	vld [tilespmem:$0x80E0];
	v1 =	vadd.f32 $1.000000000e+00, v1;
	_ =	sdelay $0x1  }
0x170: {  	v1 =	vmin.f32 v1, $1.000000000e+00  }
0x171: {  	v1 =	vmul.f32 v3, v1;
	v3 =	vld [tilespmem:$0x0]  }
0x172: {  	v5 =	vld [tilespmem:$0x8160];
	v2 =	vtrunc.f32 v2  }
0x173: {  	s31 =	simm.s32 $0x0;
	[tilespmem:$0x10850] =	vst v1;
	v1 =	vcvt.f32.s32 v2;
	v2 =	vtrunc.f32 v4;
	v4 =	vld [tilespmem:$0x81E0]  }
0x174: {  	v2 =	vcvt.f32.s32 v2;
	v6 =	vld [tilespmem:s31+$0x0]  }
0x175: {  	v10 =	vand.u32 $0xF, v1  }
0x176: {  	s16 =	simm.s32 $0x80;
	v7 =	vld [tilespmem:$0x8460];
	v1 =	vperm.xlane v3, v10;
	v12 =	vand.u32 $0xF, v2  }
0x177: {  	v13 =	vld [tilespmem:s16+$0x0];
	v2 =	vperm.xlane v3, v12  }
0x178: {  	v8 =	vld [tilespmem:$0x84E0];
	v11 =	vadd.f32 v5, v1  }
0x179: {  	v9 =	vadd.f32 v4, v2;
	v3 =	vperm.xlane v6, v10;
	v4 =	vperm.xlane v6, v12  }
0x17a: {  	v1 =	vld [tilespmem:$0x8260]  }
0x17b: {  	v2 =	vld [tilespmem:$0x82E0];
	v14 =	vsub.f32 v3, v11;
	v15 =	vsub.f32 v4, v9  }
0x17c: {  	v6 =	vld [tilespmem:$0x83E0];
	v20 =	vperm.xlane v13, v10  }
0x17d: {  	v3 =	vld [tilespmem:$0x8360];
	v16 =	vmul.f32 v14, v7;
	v17 =	vmul.f32 v15, v8  }
0x17e: {  	v5 =	vld [tilespmem:$0x85E0];
	v18 =	vmul.f32 v15, v7;
	v19 =	vmul.f32 v14, v8  }
0x17f: {  	v21 =	vperm.xlane v13, v12;
	v13 =	vand.u32 $0x7FFFFFFF, v14;
	v14 =	vsub.f32 v20, v11  }
0x180: {  	v4 =	vld [tilespmem:$0x8560];
	v16 =	vadd.f32 v17, v16;
	v17 =	vsub.f32 v18, v19  }
0x181: {  	v15 =	vand.u32 $0x7FFFFFFF, v15;
	v18 =	vsub.f32 v13, v1;
	v19 =	vsub.f32 v2, v13  }
0x182: {  	v23 =	vsub.f32 v6, v15;
	v22 =	vsub.f32 v15, v3;
	v13 =	vmul.f32 $4.142135680e-01, v16  }
0x183: {  	v20 =	vld [tilespmem:s31+$0x8860];
	v16 =	vmul.f32 v17, v5;
	v15 =	vand.u32 $0x7FFFFFFF, v17;
	v18 =	vmin.f32 v18, v19  }
0x184: {  	s17 =	simm.s32 $0x100;
	v24 =	vsub.f32 v13, v15;
	v15 =	vsub.f32 v21, v9;
	v21 =	vmin.f32 v22, v23  }
0x185: {  	v16 =	vadd.f32 v16, v4;
	v22 =	vmin.f32 v18, v21;
	v18 =	vld [tilespmem:s17+$0x0];
	_ =	sdelay $0x1  }
0x186: {  	v17 =	vmul.f32 v14, v7;
	v16 =	vmin.f32 v24, v16  }
0x187: {  	v13 =	vimm.f32 $-1.000000000e+00;
	v21 =	vmul.f32 v14, v8;
	v16 =	vmin.f32 v16, v20  }
0x188: {  	s18 =	simm.s32 $0x600;
	v19 =	vmul.f32 v15, v8;
	v20 =	vmul.f32 v15, v7;
	v16 =	vmin.f32 v22, v16  }
.LBB2_14:
0x189: {  	p0 =	sne.s32 s18, $0x1FE00;
	v22 =	vperm.xlane v18, v10;
	v23 =	vperm.xlane v18, v12;
	v13 =	vmax.f32 v13, v16  }
0x18a: {  	v16 =	vand.u32 $0x7FFFFFFF, v14;
	v17 =	vadd.f32 v19, v17;
	v18 =	vsub.f32 v20, v21  }
0x18b: {  	v15 =	vand.u32 $0x7FFFFFFF, v15;
	v19 =	vsub.f32 v16, v1;
	v14 =	vsub.f32 v22, v11  }
0x18c: {  	v16 =	vsub.f32 v2, v16;
	v17 =	vmul.f32 $4.142135680e-01, v17;
	v20 =	vld [tilespmem:s16+$0x8860];
	v21 =	vmul.f32 v18, v5;
	s16 =	smov.u32 s17  }
0x18d: {  	v24 =	vsub.f32 v6, v15;
	v22 =	vsub.f32 v15, v3;
	s17 =	sshra.s32 s18, $0x2;
	v15 =	vand.u32 $0x7FFFFFFF, v18  }
.Ltmp6:
0x18e: {  	v25 =	vsub.f32 v17, v15;
	v18 =	vld [tilespmem:s17+$0x0];
	v21 =	vadd.f32 v21, v4;
	(pc) =	sbr.rel @p0 .LBB2_14-.Ltmp6, $4  }
0x18f: {  	v15 =	vsub.f32 v23, v9;
	v17 =	vmul.f32 v14, v7  }
0x190: {  	v16 =	vmin.f32 v19, v16;
	v22 =	vmin.f32 v22, v24;
	v21 =	vmin.f32 v25, v21  }
0x191: {  	v16 =	vmin.f32 v16, v22;
	v19 =	vmul.f32 v15, v8;
	v22 =	vmin.f32 v21, v20  }
0x192: {  	s18 =	sadd.s32 $0x200, s18;
	v20 =	vmul.f32 v15, v7;
	v21 =	vmul.f32 v14, v8;
	v16 =	vmin.f32 v16, v22  }
0x193: {  	v10 =	vperm.xlane v18, v10;
	v12 =	vperm.xlane v18, v12  }
0x194: {  	v17 =	vadd.f32 v19, v17;
	v15 =	vand.u32 $0x7FFFFFFF, v15;
	v18 =	vsub.f32 v20, v21  }
0x195: {  	v19 =	vsub.f32 v15, v3;
	v15 =	vsub.f32 v6, v15  }
0x196: {  	v14 =	vand.u32 $0x7FFFFFFF, v14;
	v10 =	vsub.f32 v10, v11;
	v9 =	vsub.f32 v12, v9  }
0x197: {  	v11 =	vsub.f32 v14, v1;
	v12 =	vmul.f32 $4.142135680e-01, v17;
	v17 =	vmul.f32 v18, v5  }
0x198: {  	v14 =	vsub.f32 v2, v14;
	v20 =	vmul.f32 v10, v7;
	v21 =	vmul.f32 v9, v8  }
0x199: {  	v18 =	vand.u32 $0x7FFFFFFF, v18;
	v7 =	vmul.f32 v9, v7;
	v8 =	vmul.f32 v10, v8  }
0x19a: {  	v12 =	vsub.f32 v12, v18;
	v11 =	vmin.f32 v11, v14;
	v17 =	vadd.f32 v17, v4  }
0x19b: {  	v10 =	vand.u32 $0x7FFFFFFF, v10;
	v18 =	vadd.f32 v21, v20;
	v7 =	vsub.f32 v7, v8  }
0x19c: {  	v14 =	vld [tilespmem:s16+$0x8860];
	v9 =	vand.u32 $0x7FFFFFFF, v9;
	v1 =	vsub.f32 v10, v1;
	v2 =	vsub.f32 v2, v10  }
0x19d: {  	v8 =	vmin.f32 v19, v15;
	v15 =	vld [tilespmem:s17+$0x8860];
	v10 =	vmul.f32 $4.142135680e-01, v18;
	v5 =	vmul.f32 v7, v5  }
0x19e: {  	v3 =	vsub.f32 v9, v3;
	v6 =	vsub.f32 v6, v9;
	v7 =	vand.u32 $0x7FFFFFFF, v7  }
0x19f: {  	v9 =	vmin.f32 v12, v17;
	v7 =	vsub.f32 v10, v7;
	v4 =	vadd.f32 v5, v4  }
0x1a0: {  	v8 =	vmin.f32 v11, v8;
	v1 =	vmin.f32 v1, v2;
	v2 =	vmin.f32 v3, v6  }
0x1a1: {  	v1 =	vmin.f32 v1, v2;
	v9 =	vmin.f32 v9, v14;
	v3 =	vmin.f32 v7, v4  }
0x1a2: {  	v5 =	vmax.f32 v13, v16;
	v4 =	vmin.f32 v8, v9;
	v2 =	vmin.f32 v3, v15  }
0x1a3: {  	v3 =	vmax.f32 v5, v4;
	v1 =	vmin.f32 v1, v2  }
0x1a4: {  	v1 =	vmax.f32 v3, v1  }
0x1a5: {  	v2 =	vand.u32 $0x80000000, v1;
	vm0 =	vlt.f32 v1, $0.0e+00;
	vm1 =	vgt.f32 v1, $0.0e+00  }
0x1a6: {  	v3 =	vld [tilespmem:$0x8660];
	v2 =	vor.u32 v2, v0;
	vm0 =	vmor vm1, vm0  }
0x1a7: {  	v1 =	vsel vm0, v2, v1;
	v2 =	vld [tilespmem:$0x8070]  }
0x1a8: {  	v4 =	vld [tilespmem:$0x80F0];
	v1 =	vadd.f32 $1.000000000e+00, v1;
	_ =	sdelay $0x1  }
0x1a9: {  	v1 =	vmin.f32 v1, $1.000000000e+00  }
0x1aa: {  	v1 =	vmul.f32 v3, v1;
	v3 =	vld [tilespmem:$0x0]  }
0x1ab: {  	v5 =	vld [tilespmem:$0x8170];
	v2 =	vtrunc.f32 v2  }
0x1ac: {  	s31 =	simm.s32 $0x0;
	[tilespmem:$0x10860] =	vst v1;
	v1 =	vcvt.f32.s32 v2;
	v2 =	vtrunc.f32 v4;
	v4 =	vld [tilespmem:$0x81F0]  }
0x1ad: {  	v2 =	vcvt.f32.s32 v2;
	v6 =	vld [tilespmem:s31+$0x0]  }
0x1ae: {  	v10 =	vand.u32 $0xF, v1  }
0x1af: {  	s16 =	simm.s32 $0x80;
	v7 =	vld [tilespmem:$0x8470];
	v1 =	vperm.xlane v3, v10;
	v12 =	vand.u32 $0xF, v2  }
0x1b0: {  	v13 =	vld [tilespmem:s16+$0x0];
	v2 =	vperm.xlane v3, v12  }
0x1b1: {  	v8 =	vld [tilespmem:$0x84F0];
	v11 =	vadd.f32 v5, v1  }
0x1b2: {  	v9 =	vadd.f32 v4, v2;
	v3 =	vperm.xlane v6, v10;
	v4 =	vperm.xlane v6, v12  }
0x1b3: {  	v1 =	vld [tilespmem:$0x8270]  }
0x1b4: {  	v2 =	vld [tilespmem:$0x82F0];
	v14 =	vsub.f32 v3, v11;
	v15 =	vsub.f32 v4, v9  }
0x1b5: {  	v6 =	vld [tilespmem:$0x83F0];
	v20 =	vperm.xlane v13, v10  }
0x1b6: {  	v3 =	vld [tilespmem:$0x8370];
	v16 =	vmul.f32 v14, v7;
	v17 =	vmul.f32 v15, v8  }
0x1b7: {  	v5 =	vld [tilespmem:$0x85F0];
	v18 =	vmul.f32 v15, v7;
	v19 =	vmul.f32 v14, v8  }
0x1b8: {  	v21 =	vperm.xlane v13, v12;
	v13 =	vand.u32 $0x7FFFFFFF, v14;
	v14 =	vsub.f32 v20, v11  }
0x1b9: {  	v4 =	vld [tilespmem:$0x8570];
	v16 =	vadd.f32 v17, v16;
	v17 =	vsub.f32 v18, v19  }
0x1ba: {  	v15 =	vand.u32 $0x7FFFFFFF, v15;
	v18 =	vsub.f32 v13, v1;
	v19 =	vsub.f32 v2, v13  }
0x1bb: {  	v23 =	vsub.f32 v6, v15;
	v22 =	vsub.f32 v15, v3;
	v13 =	vmul.f32 $4.142135680e-01, v16  }
0x1bc: {  	v20 =	vld [tilespmem:s31+$0x8870];
	v16 =	vmul.f32 v17, v5;
	v15 =	vand.u32 $0x7FFFFFFF, v17;
	v18 =	vmin.f32 v18, v19  }
0x1bd: {  	s17 =	simm.s32 $0x100;
	v24 =	vsub.f32 v13, v15;
	v15 =	vsub.f32 v21, v9;
	v21 =	vmin.f32 v22, v23  }
0x1be: {  	v16 =	vadd.f32 v16, v4;
	v22 =	vmin.f32 v18, v21;
	v18 =	vld [tilespmem:s17+$0x0];
	_ =	sdelay $0x1  }
0x1bf: {  	v17 =	vmul.f32 v14, v7;
	v16 =	vmin.f32 v24, v16  }
0x1c0: {  	v13 =	vimm.f32 $-1.000000000e+00;
	v21 =	vmul.f32 v14, v8;
	v16 =	vmin.f32 v16, v20  }
0x1c1: {  	s18 =	simm.s32 $0x600;
	v19 =	vmul.f32 v15, v8;
	v20 =	vmul.f32 v15, v7;
	v16 =	vmin.f32 v22, v16  }
.LBB2_16:
0x1c2: {  	p0 =	sne.s32 s18, $0x1FE00;
	v22 =	vperm.xlane v18, v10;
	v23 =	vperm.xlane v18, v12;
	v13 =	vmax.f32 v13, v16  }
0x1c3: {  	v16 =	vand.u32 $0x7FFFFFFF, v14;
	v17 =	vadd.f32 v19, v17;
	v18 =	vsub.f32 v20, v21  }
0x1c4: {  	v15 =	vand.u32 $0x7FFFFFFF, v15;
	v19 =	vsub.f32 v16, v1;
	v14 =	vsub.f32 v22, v11  }
0x1c5: {  	v16 =	vsub.f32 v2, v16;
	v17 =	vmul.f32 $4.142135680e-01, v17;
	v20 =	vld [tilespmem:s16+$0x8870];
	v21 =	vmul.f32 v18, v5;
	s16 =	smov.u32 s17  }
0x1c6: {  	v24 =	vsub.f32 v6, v15;
	v22 =	vsub.f32 v15, v3;
	s17 =	sshra.s32 s18, $0x2;
	v15 =	vand.u32 $0x7FFFFFFF, v18  }
.Ltmp7:
0x1c7: {  	v25 =	vsub.f32 v17, v15;
	v18 =	vld [tilespmem:s17+$0x0];
	v21 =	vadd.f32 v21, v4;
	(pc) =	sbr.rel @p0 .LBB2_16-.Ltmp7, $4  }
0x1c8: {  	v15 =	vsub.f32 v23, v9;
	v17 =	vmul.f32 v14, v7  }
0x1c9: {  	v16 =	vmin.f32 v19, v16;
	v22 =	vmin.f32 v22, v24;
	v21 =	vmin.f32 v25, v21  }
0x1ca: {  	v16 =	vmin.f32 v16, v22;
	v19 =	vmul.f32 v15, v8;
	v22 =	vmin.f32 v21, v20  }
0x1cb: {  	s18 =	sadd.s32 $0x200, s18;
	v20 =	vmul.f32 v15, v7;
	v21 =	vmul.f32 v14, v8;
	v16 =	vmin.f32 v16, v22  }
0x1cc: {  	v10 =	vperm.xlane v18, v10  }
0x1cd: {  	v12 =	vperm.xlane v18, v12;
	v14 =	vand.u32 $0x7FFFFFFF, v14;
	v17 =	vadd.f32 v19, v17  }
0x1ce: {  	v15 =	vand.u32 $0x7FFFFFFF, v15;
	v44 =	vsub.f32 v20, v21;
	v45 =	vsub.f32 v14, v1  }
0x1cf: {  	v62 =	vmax.f32 v13, v16;
	v10 =	vsub.f32 v10, v11;
	v9 =	vsub.f32 v12, v9  }
0x1d0: {  	v14 =	vsub.f32 v2, v14;
	v48 =	vsub.f32 v15, v3;
	v46 =	vmul.f32 $4.142135680e-01, v17  }
0x1d1: {  	v15 =	vsub.f32 v6, v15;
	v49 =	vmul.f32 v10, v7;
	v50 =	vmul.f32 v9, v8  }
0x1d2: {  	v18 =	vand.u32 $0x7FFFFFFF, v44;
	v51 =	vmul.f32 v9, v7;
	v52 =	vmul.f32 v10, v8  }
0x1d3: {  	v47 =	vmul.f32 v44, v5;
	v11 =	vmin.f32 v45, v14;
	v12 =	vsub.f32 v46, v18  }
0x1d4: {  	v10 =	vand.u32 $0x7FFFFFFF, v10;
	v54 =	vadd.f32 v50, v49;
	v7 =	vsub.f32 v51, v52  }
0x1d5: {  	v53 =	vld [tilespmem:s16+$0x8870];
	v9 =	vand.u32 $0x7FFFFFFF, v9;
	v17 =	vadd.f32 v47, v4;
	v1 =	vsub.f32 v10, v1  }
0x1d6: {  	v56 =	vld [tilespmem:s17+$0x8870];
	v2 =	vsub.f32 v2, v10;
	v57 =	vmul.f32 $4.142135680e-01, v54;
	v58 =	vmul.f32 v7, v5  }
0x1d7: {  	v3 =	vsub.f32 v9, v3;
	v59 =	vsub.f32 v6, v9;
	v7 =	vand.u32 $0x7FFFFFFF, v7  }
0x1d8: {  	v55 =	vmin.f32 v48, v15;
	v7 =	vsub.f32 v57, v7;
	v61 =	vadd.f32 v58, v4  }
0x1d9: {  	v8 =	vmin.f32 v11, v55;
	v60 =	vmin.f32 v12, v17;
	v1 =	vmin.f32 v1, v2  }
0x1da: {  	v2 =	vmin.f32 v3, v59;
	v9 =	vmin.f32 v60, v53;
	v3 =	vmin.f32 v7, v61  }
0x1db: {  	v1 =	vmin.f32 v1, v2;
	v63 =	vmin.f32 v8, v9;
	v2 =	vmin.f32 v3, v56  }
0x1dc: {  	v3 =	vmax.f32 v62, v63;
	v1 =	vmin.f32 v1, v2  }
0x1dd: {  	v1 =	vmax.f32 v3, v1  }
0x1de: {  	v2 =	vand.u32 $0x80000000, v1;
	vm0 =	vlt.f32 v1, $0.0e+00;
	vm1 =	vgt.f32 v1, $0.0e+00  }
0x1df: {  	v3 =	vld [tilespmem:$0x8670];
	v2 =	vor.u32 v2, v0;
	vm0 =	vmor vm1, vm0  }
0x1e0: {  	v1 =	vsel vm0, v2, v1  }
0x1e1: {  	v1 =	vadd.f32 $1.000000000e+00, v1;
	_ =	sdelay $0x1  }
0x1e2: {  	v1 =	vmin.f32 v1, $1.000000000e+00  }
0x1e3: {  	s15 =	sadd.s32 $0x1, s15;
	v1 =	vmul.f32 v3, v1  }
0x1e4: {  	p0 =	sne.s32 s15, s7  }
.Ltmp8:
0x1e5: {  	[tilespmem:$0x10870] =	vst v1;
	(pc) =	sbr.rel @p0 .LBB2_1-.Ltmp8, $4  }
0x1e6: {  	[hbm4b:s6+s2] =	stream.linear.scatter [tilespmem:s14], [sflag:$0x1], $0x80, $0x38;
	[tilespmem:$0x10880] =	vst v63  }
0x1e7: {  	_ =	swait.ge [sflag:s8], $0x80  }
0x1e8: {  	[sflag:s8] =	ssyncset.done $0x0  }
0x1e9: {  	[sflag:s8] =	ssyncadd.s32 $0xFFFFFF80  }
0x1ea: {  	_ =	sfence.sel $0x180000  }
0x1eb: {  	[bflag:$0x0] =	sbarrier.arrive $0xFFFF  }
0x1ec: {  	p0 =	sne.s32 s1, $0x0;
	_ =	strace $0x90000047  }
0x1ed: {  	s0 =	sadd.s32 @!p0 $0x100000, s0;
	[bflag:$0x2] =	sbarrier.arrive $0xFFFF  }
0x1ee: {  	[sflag:s0] =	ssyncadd.tile.s32 @!p0 $0x1;
	_ =	shalt  }
.Lfunc_end2:
_tile_overlayer_lowered:
.L_overlay_start_2:
0x1ef: {  	(tag) =	ssettag $0x2  }
0x1f0: {  	s0 =	rddreg [dreg:$0x0];
	s2 =	stileid.u32  }
0x1f1: {  	s1 =	rddreg [dreg:$0x1];
	p0 =	sne.s32 s2, $0x0  }
0x1f2: {  	s3 =	rddreg [dreg:$0x2];
	[bflag:$0x3] =	sbarrier.arrive $0xFFFF;
	s2 =	simm.s32 @!p0 $0x1C01  }
0x1f3: {  	[timem:s3], [sflag:s2] =	dma.local @!p0 [hbm:s0], s1  }
0x1f4: {  	s0 =	simm.s32 @!p0 $0x1  }
0x1f5: {  	_ =	swait.ge @!p0 [sflag:s0], s1  }
0x1f6: {  	s1 =	ssub.s32 @!p0 $0x0, s1;
	[sflag:s0] =	ssyncset.done @!p0 $0x0  }
0x1f7: {  	[sflag:s0] =	ssyncadd.s32 @!p0 s1  }
0x1f8: {  	[bflag:$0x3] =	sbarrier.arrive $0xFFFF  }
0x1f9: {  	_ =	shalt  }

</sc_bundles>
